<compile_context>
chip_gen: v7x
topology: tpu7x:2x2x1
jax: 0.10.2.dev20260603
libtpu: 0.0.44.dev20260713+nightly
codegen_flags: <defaults>
</compile_context>

<pallas_src>
import functools

import jax
import jax.numpy as jnp
from jax import lax
from jax.experimental import pallas as pl
from jax.experimental.pallas import tpu as pltpu
from jax.experimental.pallas import tpu_sc as plsc

_N_LOC = 49
_N_SA = 196
_B = 16384
_DP = 208
_NC = 2
_NS = 16
_NW = _NC * _NS
_BPW = _B // _NW
_CHUNK = 128
_L = 16
_BT = 1024


@functools.cache
def _noise():
    g = jax.random.gumbel(jax.random.key(42), (_B, _N_SA), jnp.float32)
    return jnp.pad(g, ((0, 0), (0, _DP - _N_SA)))


def _sc_gather(t_pad, state, reward):
    mesh = plsc.VectorSubcoreMesh(core_axis_name="c", subcore_axis_name="s")

    @functools.partial(
        pl.kernel,
        mesh=mesh,
        compiler_params=pltpu.CompilerParams(use_tc_tiling_on_sc=False),
        out_type=jax.ShapeDtypeStruct((_B, _DP), jnp.float32),
        scratch_types=[
            pltpu.VMEM((_BPW,), jnp.int32),
            pltpu.VMEM((_BPW,), jnp.int32),
            pltpu.VMEM((_BPW, _DP), jnp.float32),
            pltpu.SemaphoreType.DMA,
        ],
    )
    def k(t_hbm, state_hbm, reward_hbm, out_hbm, st_v, idx_v, rows_v, sem):
        wid = lax.axis_index("s") * _NC + lax.axis_index("c")
        base = wid * _BPW
        pltpu.sync_copy(state_hbm.at[pl.ds(base, _BPW)], st_v)
        pltpu.sync_copy(reward_hbm.at[pl.ds(base, _BPW)], idx_v)
        for i in range(_BPW // _L):
            s = pl.ds(i * _L, _L)
            idx_v[s] = idx_v[s] * _N_SA + st_v[s]
        copies = []
        for j in range(_BPW // _CHUNK):
            c = pl.ds(j * _CHUNK, _CHUNK)
            copies.append(
                pltpu.async_copy(t_hbm.at[idx_v.at[c]], rows_v.at[c], sem))
        for cp in copies:
            cp.wait()
        pltpu.sync_copy(rows_v, out_hbm.at[pl.ds(base, _BPW)])

    return k(t_pad, state, reward)


def _tc_sample_body(probs_ref, g_ref, reward_ref, sa_ref, term_ref):
    v = g_ref[...] + jnp.log(probs_ref[...] + 1e-12)
    lane = lax.broadcasted_iota(jnp.int32, (_BT, _DP), 1)
    v = jnp.where(lane < _N_SA, v, -jnp.inf)
    m = jnp.max(v, axis=1, keepdims=True)
    cand = jnp.where(v == m, lane, _DP)
    sa = jnp.min(cand, axis=1)
    sa_ref[...] = sa
    term_ref[...] = jnp.where((sa % _N_LOC) == reward_ref[...], 1, 0)


def _tc_sample(probs, g, reward):
    return pl.pallas_call(
        _tc_sample_body,
        grid=(_B // _BT,),
        in_specs=[
            pl.BlockSpec((_BT, _DP), lambda i: (i, 0)),
            pl.BlockSpec((_BT, _DP), lambda i: (i, 0)),
            pl.BlockSpec((_BT,), lambda i: (i,)),
        ],
        out_specs=[
            pl.BlockSpec((_BT,), lambda i: (i,)),
            pl.BlockSpec((_BT,), lambda i: (i,)),
        ],
        out_shape=[
            jax.ShapeDtypeStruct((_B,), jnp.int32),
            jax.ShapeDtypeStruct((_B,), jnp.int32),
        ],
    )(probs, g, reward)


def kernel(state, reward, T):
    state = state.astype(jnp.int32)
    reward = reward.astype(jnp.int32)
    t_pad = jnp.pad(T.reshape(_N_LOC * _N_SA, _N_SA),
                    ((0, 0), (0, _DP - _N_SA)))
    probs = _sc_gather(t_pad, state, reward)
    sa, term = _tc_sample(probs, _noise(), reward)
    return sa, term.astype(jnp.bool_)

# --- scband reference (transcript-rebuilt; emitter-appended) ---
"""Pipeline reference for scband-vector-optimal-forward-planner-26637387170152 (READ-ONLY COPY).

The authoritative reference and input builder live on the scoring server;
editing this copy changes nothing except your own understanding.
"""

import jax, jax.numpy as jnp
import numpy as np

N_LOC = 49
N_SA = 196
B = 16384


def setup_inputs(seed: int = 0) -> dict:
    key = jax.random.key(seed)
    k1, k2, k3, k4, k5 = jax.random.split(key, 5)
    # Surrogate transition matrices (the original builds these from maze
    # structure via scipy shortest-path; here random nonneg matrices,
    # combined and row-normalized exactly as in __init__).
    vector_matrix = jax.random.uniform(k1, (N_LOC, N_SA, N_SA), dtype=jnp.float32)
    optimal_matrix = jax.random.uniform(k2, (N_LOC, N_SA, N_SA), dtype=jnp.float32)
    straight_matrix = jax.random.uniform(k3, (N_LOC, N_SA, N_SA), dtype=jnp.float32)
    vector_coef, optimal_coef, straight_coef = 1.0, 1.0, 1.0
    T = (vector_matrix * vector_coef + optimal_matrix * optimal_coef + straight_matrix * straight_coef) / (vector_coef + optimal_coef + straight_coef)
    # normalize rows so each T[reward, state] is a valid categorical distribution
    T = T / jnp.sum(T, axis=-1, keepdims=True)
    state = jax.random.randint(k4, (B,), 0, N_SA, dtype=jnp.int64 if jax.config.jax_enable_x64 else jnp.int32)
    reward = jax.random.randint(k5, (B,), 0, N_LOC, dtype=jnp.int64 if jax.config.jax_enable_x64 else jnp.int32)
    return {"state": state, "reward": reward, "T": T}


def reference(state, reward, T):
    # probs[b] = T[reward[b], state[b]]  -> batched double gather, shape [B, 196]
    probs = T[reward, state]
    logits = jnp.log(probs + 1e-12)
    # Categorical(probs).sample()
    sample_key = jax.random.key(42)
    sa = jax.random.categorical(sample_key, logits, axis=-1)
    terminal = (sa % N_LOC) == reward
    return (sa, terminal)

if __name__ == "__main__":
    import jax
    _d = setup_inputs()
    print(jax.jit(kernel)(*tuple(_d.values())))

</pallas_src>

<mosaic_0001>
#map = affine_map<(d0, d1) -> (0, 0)>
#map1 = affine_map<(d0, d1) -> (0)>
module attributes {stable_mosaic.version = 14 : i64} {
  func.func @k(%arg0: i32, %arg1: i32, %arg2: memref<9604x208xf32, #tpu.memory_space<hbm>>, %arg3: memref<16384xi32, #tpu.memory_space<hbm>>, %arg4: memref<16384xi32, #tpu.memory_space<hbm>>, %arg5: memref<16384x208xf32, #tpu.memory_space<hbm>>, %arg6: memref<512xi32, #tpu.memory_space<vmem>>, %arg7: memref<512xi32, #tpu.memory_space<vmem>>, %arg8: memref<512x208xf32, #tpu.memory_space<vmem>>, %arg9: memref<!tpu.dma_semaphore, #tpu.memory_space<semaphore_mem>>) attributes {dimension_semantics = [#tpu.dimension_semantics<core_parallel>, #tpu.dimension_semantics<subcore_parallel>], iteration_bounds = array<i64: 2, 16>, scalar_prefetch = 0 : i64, scratch_operands = 4 : i64, tpu.core_type = #tpu.core_type<sc_vector_subcore>, window_params = [{transform_indices = #map}, {transform_indices = #map1}, {transform_indices = #map1}, {transform_indices = #map}]} {
    %mul3A = arith.constant 2 : i32
    %mul3A_0 = arith.muli %arg1, %mul3A : i32
    %add3A = arith.addi %mul3A_0, %arg0 : i32
    %mul3A_1 = arith.constant 512 : i32
    %mul3A_2 = arith.muli %add3A, %mul3A_1 : i32
    "tpu.region"() ({
      %run_scoped3A = tpu.sem_alloc : memref<!tpu.dma_semaphore, #tpu.memory_space<semaphore_mem>>
      %dma_start3A_511 = tpu.memref_slice %arg3[%mul3A_2] : memref<16384xi32, #tpu.memory_space<hbm>> -> memref<512xi32, #tpu.memory_space<hbm>>
      %dma_start3A_512 = tpu.memref_slice %arg3[%mul3A_2] : memref<16384xi32, #tpu.memory_space<hbm>> -> memref<512xi32, #tpu.memory_space<hbm>>
      tpu.enqueue_dma source(%dma_start3A_512 : memref<512xi32, #tpu.memory_space<hbm>>) target(%arg6 : memref<512xi32, #tpu.memory_space<vmem>>) target_semaphore(%run_scoped3A : memref<!tpu.dma_semaphore, #tpu.memory_space<semaphore_mem>>)
      %dma_wait3A_513 = tpu.memref_slice %arg3[%mul3A_2] : memref<16384xi32, #tpu.memory_space<hbm>> -> memref<512xi32, #tpu.memory_space<hbm>>
      %dma_wait3A_514 = tpu.memref_slice %arg3[%mul3A_2] : memref<16384xi32, #tpu.memory_space<hbm>> -> memref<512xi32, #tpu.memory_space<hbm>>
      tpu.wait_dma2 semaphore(%run_scoped3A : memref<!tpu.dma_semaphore, #tpu.memory_space<semaphore_mem>>) src(%dma_wait3A_514 : memref<512xi32, #tpu.memory_space<hbm>>) dst(%arg6 : memref<512xi32, #tpu.memory_space<vmem>>)
      tpu.yield
    }) : () -> ()
    "tpu.region"() ({
      %run_scoped3A = tpu.sem_alloc : memref<!tpu.dma_semaphore, #tpu.memory_space<semaphore_mem>>
      %dma_start3A_511 = tpu.memref_slice %arg4[%mul3A_2] : memref<16384xi32, #tpu.memory_space<hbm>> -> memref<512xi32, #tpu.memory_space<hbm>>
      %dma_start3A_512 = tpu.memref_slice %arg4[%mul3A_2] : memref<16384xi32, #tpu.memory_space<hbm>> -> memref<512xi32, #tpu.memory_space<hbm>>
      tpu.enqueue_dma source(%dma_start3A_512 : memref<512xi32, #tpu.memory_space<hbm>>) target(%arg7 : memref<512xi32, #tpu.memory_space<vmem>>) target_semaphore(%run_scoped3A : memref<!tpu.dma_semaphore, #tpu.memory_space<semaphore_mem>>)
      %dma_wait3A_513 = tpu.memref_slice %arg4[%mul3A_2] : memref<16384xi32, #tpu.memory_space<hbm>> -> memref<512xi32, #tpu.memory_space<hbm>>
      %dma_wait3A_514 = tpu.memref_slice %arg4[%mul3A_2] : memref<16384xi32, #tpu.memory_space<hbm>> -> memref<512xi32, #tpu.memory_space<hbm>>
      tpu.wait_dma2 semaphore(%run_scoped3A : memref<!tpu.dma_semaphore, #tpu.memory_space<semaphore_mem>>) src(%dma_wait3A_514 : memref<512xi32, #tpu.memory_space<hbm>>) dst(%arg7 : memref<512xi32, #tpu.memory_space<vmem>>)
      tpu.yield
    }) : () -> ()
    %get3A = arith.constant 0 : index
    %get3A_3 = tpu.vector_load %arg7[%get3A] {strides = array<i32>} : memref<512xi32, #tpu.memory_space<vmem>>, vector<16xi32>,
    %get3A_4 = vector.shape_cast %get3A_3 : vector<16xi32> to vector<16xi32>
    %mul3A_5 = arith.constant 196 : i32
    %mul3A_6 = vector.broadcast %mul3A_5 : i32 to vector<16xi32>
    %mul3A_7 = arith.muli %get3A_4, %mul3A_6 : vector<16xi32>
    %get3A_8 = arith.constant 0 : index
    %get3A_9 = tpu.vector_load %arg6[%get3A_8] {strides = array<i32>} : memref<512xi32, #tpu.memory_space<vmem>>, vector<16xi32>,
    %get3A_10 = vector.shape_cast %get3A_9 : vector<16xi32> to vector<16xi32>
    %add3A_11 = arith.addi %mul3A_7, %get3A_10 : vector<16xi32>
    %swap3A = arith.constant 0 : index
    %swap3A_12 = tpu.vector_load %arg7[%swap3A] {strides = array<i32>} : memref<512xi32, #tpu.memory_space<vmem>>, vector<16xi32>,
    %swap3A_13 = vector.shape_cast %swap3A_12 : vector<16xi32> to vector<16xi32>
    %swap3A_14 = vector.shape_cast %add3A_11 : vector<16xi32> to vector<16xi32>
    tpu.vector_store %arg7[%swap3A], %swap3A_14 {strides = array<i32>} : memref<512xi32, #tpu.memory_space<vmem>>, vector<16xi32>,
    %get3A_15 = arith.constant 16 : index
    %get3A_16 = tpu.vector_load %arg7[%get3A_15] {strides = array<i32>} : memref<512xi32, #tpu.memory_space<vmem>>, vector<16xi32>,
    %get3A_17 = vector.shape_cast %get3A_16 : vector<16xi32> to vector<16xi32>
    %mul3A_18 = arith.constant 196 : i32
    %mul3A_19 = vector.broadcast %mul3A_18 : i32 to vector<16xi32>
    %mul3A_20 = arith.muli %get3A_17, %mul3A_19 : vector<16xi32>
    %get3A_21 = arith.constant 16 : index
    %get3A_22 = tpu.vector_load %arg6[%get3A_21] {strides = array<i32>} : memref<512xi32, #tpu.memory_space<vmem>>, vector<16xi32>,
    %get3A_23 = vector.shape_cast %get3A_22 : vector<16xi32> to vector<16xi32>
    %add3A_24 = arith.addi %mul3A_20, %get3A_23 : vector<16xi32>
    %swap3A_25 = arith.constant 16 : index
    %swap3A_26 = tpu.vector_load %arg7[%swap3A_25] {strides = array<i32>} : memref<512xi32, #tpu.memory_space<vmem>>, vector<16xi32>,
    %swap3A_27 = vector.shape_cast %swap3A_26 : vector<16xi32> to vector<16xi32>
    %swap3A_28 = vector.shape_cast %add3A_24 : vector<16xi32> to vector<16xi32>
    tpu.vector_store %arg7[%swap3A_25], %swap3A_28 {strides = array<i32>} : memref<512xi32, #tpu.memory_space<vmem>>, vector<16xi32>,
    %get3A_29 = arith.constant 32 : index
    %get3A_30 = tpu.vector_load %arg7[%get3A_29] {strides = array<i32>} : memref<512xi32, #tpu.memory_space<vmem>>, vector<16xi32>,
    %get3A_31 = vector.shape_cast %get3A_30 : vector<16xi32> to vector<16xi32>
    %mul3A_32 = arith.constant 196 : i32
    %mul3A_33 = vector.broadcast %mul3A_32 : i32 to vector<16xi32>
    %mul3A_34 = arith.muli %get3A_31, %mul3A_33 : vector<16xi32>
    %get3A_35 = arith.constant 32 : index
    %get3A_36 = tpu.vector_load %arg6[%get3A_35] {strides = array<i32>} : memref<512xi32, #tpu.memory_space<vmem>>, vector<16xi32>,
    %get3A_37 = vector.shape_cast %get3A_36 : vector<16xi32> to vector<16xi32>
    %add3A_38 = arith.addi %mul3A_34, %get3A_37 : vector<16xi32>
    %swap3A_39 = arith.constant 32 : index
    %swap3A_40 = tpu.vector_load %arg7[%swap3A_39] {strides = array<i32>} : memref<512xi32, #tpu.memory_space<vmem>>, vector<16xi32>,
    %swap3A_41 = vector.shape_cast %swap3A_40 : vector<16xi32> to vector<16xi32>
    %swap3A_42 = vector.shape_cast %add3A_38 : vector<16xi32> to vector<16xi32>
    tpu.vector_store %arg7[%swap3A_39], %swap3A_42 {strides = array<i32>} : memref<512xi32, #tpu.memory_space<vmem>>, vector<16xi32>,
    %get3A_43 = arith.constant 48 : index
    %get3A_44 = tpu.vector_load %arg7[%get3A_43] {strides = array<i32>} : memref<512xi32, #tpu.memory_space<vmem>>, vector<16xi32>,
    %get3A_45 = vector.shape_cast %get3A_44 : vector<16xi32> to vector<16xi32>
    %mul3A_46 = arith.constant 196 : i32
    %mul3A_47 = vector.broadcast %mul3A_46 : i32 to vector<16xi32>
    %mul3A_48 = arith.muli %get3A_45, %mul3A_47 : vector<16xi32>
    %get3A_49 = arith.constant 48 : index
    %get3A_50 = tpu.vector_load %arg6[%get3A_49] {strides = array<i32>} : memref<512xi32, #tpu.memory_space<vmem>>, vector<16xi32>,
    %get3A_51 = vector.shape_cast %get3A_50 : vector<16xi32> to vector<16xi32>
    %add3A_52 = arith.addi %mul3A_48, %get3A_51 : vector<16xi32>
    %swap3A_53 = arith.constant 48 : index
    %swap3A_54 = tpu.vector_load %arg7[%swap3A_53] {strides = array<i32>} : memref<512xi32, #tpu.memory_space<vmem>>, vector<16xi32>,
    %swap3A_55 = vector.shape_cast %swap3A_54 : vector<16xi32> to vector<16xi32>
    %swap3A_56 = vector.shape_cast %add3A_52 : vector<16xi32> to vector<16xi32>
    tpu.vector_store %arg7[%swap3A_53], %swap3A_56 {strides = array<i32>} : memref<512xi32, #tpu.memory_space<vmem>>, vector<16xi32>,
    %get3A_57 = arith.constant 64 : index
    %get3A_58 = tpu.vector_load %arg7[%get3A_57] {strides = array<i32>} : memref<512xi32, #tpu.memory_space<vmem>>, vector<16xi32>,
    %get3A_59 = vector.shape_cast %get3A_58 : vector<16xi32> to vector<16xi32>
    %mul3A_60 = arith.constant 196 : i32
    %mul3A_61 = vector.broadcast %mul3A_60 : i32 to vector<16xi32>
    %mul3A_62 = arith.muli %get3A_59, %mul3A_61 : vector<16xi32>
    %get3A_63 = arith.constant 64 : index
    %get3A_64 = tpu.vector_load %arg6[%get3A_63] {strides = array<i32>} : memref<512xi32, #tpu.memory_space<vmem>>, vector<16xi32>,
    %get3A_65 = vector.shape_cast %get3A_64 : vector<16xi32> to vector<16xi32>
    %add3A_66 = arith.addi %mul3A_62, %get3A_65 : vector<16xi32>
    %swap3A_67 = arith.constant 64 : index
    %swap3A_68 = tpu.vector_load %arg7[%swap3A_67] {strides = array<i32>} : memref<512xi32, #tpu.memory_space<vmem>>, vector<16xi32>,
    %swap3A_69 = vector.shape_cast %swap3A_68 : vector<16xi32> to vector<16xi32>
    %swap3A_70 = vector.shape_cast %add3A_66 : vector<16xi32> to vector<16xi32>
    tpu.vector_store %arg7[%swap3A_67], %swap3A_70 {strides = array<i32>} : memref<512xi32, #tpu.memory_space<vmem>>, vector<16xi32>,
    %get3A_71 = arith.constant 80 : index
    %get3A_72 = tpu.vector_load %arg7[%get3A_71] {strides = array<i32>} : memref<512xi32, #tpu.memory_space<vmem>>, vector<16xi32>,
    %get3A_73 = vector.shape_cast %get3A_72 : vector<16xi32> to vector<16xi32>
    %mul3A_74 = arith.constant 196 : i32
    %mul3A_75 = vector.broadcast %mul3A_74 : i32 to vector<16xi32>
    %mul3A_76 = arith.muli %get3A_73, %mul3A_75 : vector<16xi32>
    %get3A_77 = arith.constant 80 : index
    %get3A_78 = tpu.vector_load %arg6[%get3A_77] {strides = array<i32>} : memref<512xi32, #tpu.memory_space<vmem>>, vector<16xi32>,
    %get3A_79 = vector.shape_cast %get3A_78 : vector<16xi32> to vector<16xi32>
    %add3A_80 = arith.addi %mul3A_76, %get3A_79 : vector<16xi32>
    %swap3A_81 = arith.constant 80 : index
    %swap3A_82 = tpu.vector_load %arg7[%swap3A_81] {strides = array<i32>} : memref<512xi32, #tpu.memory_space<vmem>>, vector<16xi32>,
    %swap3A_83 = vector.shape_cast %swap3A_82 : vector<16xi32> to vector<16xi32>
    %swap3A_84 = vector.shape_cast %add3A_80 : vector<16xi32> to vector<16xi32>
    tpu.vector_store %arg7[%swap3A_81], %swap3A_84 {strides = array<i32>} : memref<512xi32, #tpu.memory_space<vmem>>, vector<16xi32>,
    %get3A_85 = arith.constant 96 : index
    %get3A_86 = tpu.vector_load %arg7[%get3A_85] {strides = array<i32>} : memref<512xi32, #tpu.memory_space<vmem>>, vector<16xi32>,
    %get3A_87 = vector.shape_cast %get3A_86 : vector<16xi32> to vector<16xi32>
    %mul3A_88 = arith.constant 196 : i32
    %mul3A_89 = vector.broadcast %mul3A_88 : i32 to vector<16xi32>
    %mul3A_90 = arith.muli %get3A_87, %mul3A_89 : vector<16xi32>
    %get3A_91 = arith.constant 96 : index
    %get3A_92 = tpu.vector_load %arg6[%get3A_91] {strides = array<i32>} : memref<512xi32, #tpu.memory_space<vmem>>, vector<16xi32>,
    %get3A_93 = vector.shape_cast %get3A_92 : vector<16xi32> to vector<16xi32>
    %add3A_94 = arith.addi %mul3A_90, %get3A_93 : vector<16xi32>
    %swap3A_95 = arith.constant 96 : index
    %swap3A_96 = tpu.vector_load %arg7[%swap3A_95] {strides = array<i32>} : memref<512xi32, #tpu.memory_space<vmem>>, vector<16xi32>,
    %swap3A_97 = vector.shape_cast %swap3A_96 : vector<16xi32> to vector<16xi32>
    %swap3A_98 = vector.shape_cast %add3A_94 : vector<16xi32> to vector<16xi32>
    tpu.vector_store %arg7[%swap3A_95], %swap3A_98 {strides = array<i32>} : memref<512xi32, #tpu.memory_space<vmem>>, vector<16xi32>,
    %get3A_99 = arith.constant 112 : index
    %get3A_100 = tpu.vector_load %arg7[%get3A_99] {strides = array<i32>} : memref<512xi32, #tpu.memory_space<vmem>>, vector<16xi32>,
    %get3A_101 = vector.shape_cast %get3A_100 : vector<16xi32> to vector<16xi32>
    %mul3A_102 = arith.constant 196 : i32
    %mul3A_103 = vector.broadcast %mul3A_102 : i32 to vector<16xi32>
    %mul3A_104 = arith.muli %get3A_101, %mul3A_103 : vector<16xi32>
    %get3A_105 = arith.constant 112 : index
    %get3A_106 = tpu.vector_load %arg6[%get3A_105] {strides = array<i32>} : memref<512xi32, #tpu.memory_space<vmem>>, vector<16xi32>,
    %get3A_107 = vector.shape_cast %get3A_106 : vector<16xi32> to vector<16xi32>
    %add3A_108 = arith.addi %mul3A_104, %get3A_107 : vector<16xi32>
    %swap3A_109 = arith.constant 112 : index
    %swap3A_110 = tpu.vector_load %arg7[%swap3A_109] {strides = array<i32>} : memref<512xi32, #tpu.memory_space<vmem>>, vector<16xi32>,
    %swap3A_111 = vector.shape_cast %swap3A_110 : vector<16xi32> to vector<16xi32>
    %swap3A_112 = vector.shape_cast %add3A_108 : vector<16xi32> to vector<16xi32>
    tpu.vector_store %arg7[%swap3A_109], %swap3A_112 {strides = array<i32>} : memref<512xi32, #tpu.memory_space<vmem>>, vector<16xi32>,
    %get3A_113 = arith.constant 128 : index
    %get3A_114 = tpu.vector_load %arg7[%get3A_113] {strides = array<i32>} : memref<512xi32, #tpu.memory_space<vmem>>, vector<16xi32>,
    %get3A_115 = vector.shape_cast %get3A_114 : vector<16xi32> to vector<16xi32>
    %mul3A_116 = arith.constant 196 : i32
    %mul3A_117 = vector.broadcast %mul3A_116 : i32 to vector<16xi32>
    %mul3A_118 = arith.muli %get3A_115, %mul3A_117 : vector<16xi32>
    %get3A_119 = arith.constant 128 : index
    %get3A_120 = tpu.vector_load %arg6[%get3A_119] {strides = array<i32>} : memref<512xi32, #tpu.memory_space<vmem>>, vector<16xi32>,
    %get3A_121 = vector.shape_cast %get3A_120 : vector<16xi32> to vector<16xi32>
    %add3A_122 = arith.addi %mul3A_118, %get3A_121 : vector<16xi32>
    %swap3A_123 = arith.constant 128 : index
    %swap3A_124 = tpu.vector_load %arg7[%swap3A_123] {strides = array<i32>} : memref<512xi32, #tpu.memory_space<vmem>>, vector<16xi32>,
    %swap3A_125 = vector.shape_cast %swap3A_124 : vector<16xi32> to vector<16xi32>
    %swap3A_126 = vector.shape_cast %add3A_122 : vector<16xi32> to vector<16xi32>
    tpu.vector_store %arg7[%swap3A_123], %swap3A_126 {strides = array<i32>} : memref<512xi32, #tpu.memory_space<vmem>>, vector<16xi32>,
    %get3A_127 = arith.constant 144 : index
    %get3A_128 = tpu.vector_load %arg7[%get3A_127] {strides = array<i32>} : memref<512xi32, #tpu.memory_space<vmem>>, vector<16xi32>,
    %get3A_129 = vector.shape_cast %get3A_128 : vector<16xi32> to vector<16xi32>
    %mul3A_130 = arith.constant 196 : i32
    %mul3A_131 = vector.broadcast %mul3A_130 : i32 to vector<16xi32>
    %mul3A_132 = arith.muli %get3A_129, %mul3A_131 : vector<16xi32>
    %get3A_133 = arith.constant 144 : index
    %get3A_134 = tpu.vector_load %arg6[%get3A_133] {strides = array<i32>} : memref<512xi32, #tpu.memory_space<vmem>>, vector<16xi32>,
    %get3A_135 = vector.shape_cast %get3A_134 : vector<16xi32> to vector<16xi32>
    %add3A_136 = arith.addi %mul3A_132, %get3A_135 : vector<16xi32>
    %swap3A_137 = arith.constant 144 : index
    %swap3A_138 = tpu.vector_load %arg7[%swap3A_137] {strides = array<i32>} : memref<512xi32, #tpu.memory_space<vmem>>, vector<16xi32>,
    %swap3A_139 = vector.shape_cast %swap3A_138 : vector<16xi32> to vector<16xi32>
    %swap3A_140 = vector.shape_cast %add3A_136 : vector<16xi32> to vector<16xi32>
    tpu.vector_store %arg7[%swap3A_137], %swap3A_140 {strides = array<i32>} : memref<512xi32, #tpu.memory_space<vmem>>, vector<16xi32>,
    %get3A_141 = arith.constant 160 : index
    %get3A_142 = tpu.vector_load %arg7[%get3A_141] {strides = array<i32>} : memref<512xi32, #tpu.memory_space<vmem>>, vector<16xi32>,
    %get3A_143 = vector.shape_cast %get3A_142 : vector<16xi32> to vector<16xi32>
    %mul3A_144 = arith.constant 196 : i32
    %mul3A_145 = vector.broadcast %mul3A_144 : i32 to vector<16xi32>
    %mul3A_146 = arith.muli %get3A_143, %mul3A_145 : vector<16xi32>
    %get3A_147 = arith.constant 160 : index
    %get3A_148 = tpu.vector_load %arg6[%get3A_147] {strides = array<i32>} : memref<512xi32, #tpu.memory_space<vmem>>, vector<16xi32>,
    %get3A_149 = vector.shape_cast %get3A_148 : vector<16xi32> to vector<16xi32>
    %add3A_150 = arith.addi %mul3A_146, %get3A_149 : vector<16xi32>
    %swap3A_151 = arith.constant 160 : index
    %swap3A_152 = tpu.vector_load %arg7[%swap3A_151] {strides = array<i32>} : memref<512xi32, #tpu.memory_space<vmem>>, vector<16xi32>,
    %swap3A_153 = vector.shape_cast %swap3A_152 : vector<16xi32> to vector<16xi32>
    %swap3A_154 = vector.shape_cast %add3A_150 : vector<16xi32> to vector<16xi32>
    tpu.vector_store %arg7[%swap3A_151], %swap3A_154 {strides = array<i32>} : memref<512xi32, #tpu.memory_space<vmem>>, vector<16xi32>,
    %get3A_155 = arith.constant 176 : index
    %get3A_156 = tpu.vector_load %arg7[%get3A_155] {strides = array<i32>} : memref<512xi32, #tpu.memory_space<vmem>>, vector<16xi32>,
    %get3A_157 = vector.shape_cast %get3A_156 : vector<16xi32> to vector<16xi32>
    %mul3A_158 = arith.constant 196 : i32
    %mul3A_159 = vector.broadcast %mul3A_158 : i32 to vector<16xi32>
    %mul3A_160 = arith.muli %get3A_157, %mul3A_159 : vector<16xi32>
    %get3A_161 = arith.constant 176 : index
    %get3A_162 = tpu.vector_load %arg6[%get3A_161] {strides = array<i32>} : memref<512xi32, #tpu.memory_space<vmem>>, vector<16xi32>,
    %get3A_163 = vector.shape_cast %get3A_162 : vector<16xi32> to vector<16xi32>
    %add3A_164 = arith.addi %mul3A_160, %get3A_163 : vector<16xi32>
    %swap3A_165 = arith.constant 176 : index
    %swap3A_166 = tpu.vector_load %arg7[%swap3A_165] {strides = array<i32>} : memref<512xi32, #tpu.memory_space<vmem>>, vector<16xi32>,
    %swap3A_167 = vector.shape_cast %swap3A_166 : vector<16xi32> to vector<16xi32>
    %swap3A_168 = vector.shape_cast %add3A_164 : vector<16xi32> to vector<16xi32>
    tpu.vector_store %arg7[%swap3A_165], %swap3A_168 {strides = array<i32>} : memref<512xi32, #tpu.memory_space<vmem>>, vector<16xi32>,
    %get3A_169 = arith.constant 192 : index
    %get3A_170 = tpu.vector_load %arg7[%get3A_169] {strides = array<i32>} : memref<512xi32, #tpu.memory_space<vmem>>, vector<16xi32>,
    %get3A_171 = vector.shape_cast %get3A_170 : vector<16xi32> to vector<16xi32>
    %mul3A_172 = arith.constant 196 : i32
    %mul3A_173 = vector.broadcast %mul3A_172 : i32 to vector<16xi32>
    %mul3A_174 = arith.muli %get3A_171, %mul3A_173 : vector<16xi32>
    %get3A_175 = arith.constant 192 : index
    %get3A_176 = tpu.vector_load %arg6[%get3A_175] {strides = array<i32>} : memref<512xi32, #tpu.memory_space<vmem>>, vector<16xi32>,
    %get3A_177 = vector.shape_cast %get3A_176 : vector<16xi32> to vector<16xi32>
    %add3A_178 = arith.addi %mul3A_174, %get3A_177 : vector<16xi32>
    %swap3A_179 = arith.constant 192 : index
    %swap3A_180 = tpu.vector_load %arg7[%swap3A_179] {strides = array<i32>} : memref<512xi32, #tpu.memory_space<vmem>>, vector<16xi32>,
    %swap3A_181 = vector.shape_cast %swap3A_180 : vector<16xi32> to vector<16xi32>
    %swap3A_182 = vector.shape_cast %add3A_178 : vector<16xi32> to vector<16xi32>
    tpu.vector_store %arg7[%swap3A_179], %swap3A_182 {strides = array<i32>} : memref<512xi32, #tpu.memory_space<vmem>>, vector<16xi32>,
    %get3A_183 = arith.constant 208 : index
    %get3A_184 = tpu.vector_load %arg7[%get3A_183] {strides = array<i32>} : memref<512xi32, #tpu.memory_space<vmem>>, vector<16xi32>,
    %get3A_185 = vector.shape_cast %get3A_184 : vector<16xi32> to vector<16xi32>
    %mul3A_186 = arith.constant 196 : i32
    %mul3A_187 = vector.broadcast %mul3A_186 : i32 to vector<16xi32>
    %mul3A_188 = arith.muli %get3A_185, %mul3A_187 : vector<16xi32>
    %get3A_189 = arith.constant 208 : index
    %get3A_190 = tpu.vector_load %arg6[%get3A_189] {strides = array<i32>} : memref<512xi32, #tpu.memory_space<vmem>>, vector<16xi32>,
    %get3A_191 = vector.shape_cast %get3A_190 : vector<16xi32> to vector<16xi32>
    %add3A_192 = arith.addi %mul3A_188, %get3A_191 : vector<16xi32>
    %swap3A_193 = arith.constant 208 : index
    %swap3A_194 = tpu.vector_load %arg7[%swap3A_193] {strides = array<i32>} : memref<512xi32, #tpu.memory_space<vmem>>, vector<16xi32>,
    %swap3A_195 = vector.shape_cast %swap3A_194 : vector<16xi32> to vector<16xi32>
    %swap3A_196 = vector.shape_cast %add3A_192 : vector<16xi32> to vector<16xi32>
    tpu.vector_store %arg7[%swap3A_193], %swap3A_196 {strides = array<i32>} : memref<512xi32, #tpu.memory_space<vmem>>, vector<16xi32>,
    %get3A_197 = arith.constant 224 : index
    %get3A_198 = tpu.vector_load %arg7[%get3A_197] {strides = array<i32>} : memref<512xi32, #tpu.memory_space<vmem>>, vector<16xi32>,
    %get3A_199 = vector.shape_cast %get3A_198 : vector<16xi32> to vector<16xi32>
    %mul3A_200 = arith.constant 196 : i32
    %mul3A_201 = vector.broadcast %mul3A_200 : i32 to vector<16xi32>
    %mul3A_202 = arith.muli %get3A_199, %mul3A_201 : vector<16xi32>
    %get3A_203 = arith.constant 224 : index
    %get3A_204 = tpu.vector_load %arg6[%get3A_203] {strides = array<i32>} : memref<512xi32, #tpu.memory_space<vmem>>, vector<16xi32>,
    %get3A_205 = vector.shape_cast %get3A_204 : vector<16xi32> to vector<16xi32>
    %add3A_206 = arith.addi %mul3A_202, %get3A_205 : vector<16xi32>
    %swap3A_207 = arith.constant 224 : index
    %swap3A_208 = tpu.vector_load %arg7[%swap3A_207] {strides = array<i32>} : memref<512xi32, #tpu.memory_space<vmem>>, vector<16xi32>,
    %swap3A_209 = vector.shape_cast %swap3A_208 : vector<16xi32> to vector<16xi32>
    %swap3A_210 = vector.shape_cast %add3A_206 : vector<16xi32> to vector<16xi32>
    tpu.vector_store %arg7[%swap3A_207], %swap3A_210 {strides = array<i32>} : memref<512xi32, #tpu.memory_space<vmem>>, vector<16xi32>,
    %get3A_211 = arith.constant 240 : index
    %get3A_212 = tpu.vector_load %arg7[%get3A_211] {strides = array<i32>} : memref<512xi32, #tpu.memory_space<vmem>>, vector<16xi32>,
    %get3A_213 = vector.shape_cast %get3A_212 : vector<16xi32> to vector<16xi32>
    %mul3A_214 = arith.constant 196 : i32
    %mul3A_215 = vector.broadcast %mul3A_214 : i32 to vector<16xi32>
    %mul3A_216 = arith.muli %get3A_213, %mul3A_215 : vector<16xi32>
    %get3A_217 = arith.constant 240 : index
    %get3A_218 = tpu.vector_load %arg6[%get3A_217] {strides = array<i32>} : memref<512xi32, #tpu.memory_space<vmem>>, vector<16xi32>,
    %get3A_219 = vector.shape_cast %get3A_218 : vector<16xi32> to vector<16xi32>
    %add3A_220 = arith.addi %mul3A_216, %get3A_219 : vector<16xi32>
    %swap3A_221 = arith.constant 240 : index
    %swap3A_222 = tpu.vector_load %arg7[%swap3A_221] {strides = array<i32>} : memref<512xi32, #tpu.memory_space<vmem>>, vector<16xi32>,
    %swap3A_223 = vector.shape_cast %swap3A_222 : vector<16xi32> to vector<16xi32>
    %swap3A_224 = vector.shape_cast %add3A_220 : vector<16xi32> to vector<16xi32>
    tpu.vector_store %arg7[%swap3A_221], %swap3A_224 {strides = array<i32>} : memref<512xi32, #tpu.memory_space<vmem>>, vector<16xi32>,
    %get3A_225 = arith.constant 256 : index
    %get3A_226 = tpu.vector_load %arg7[%get3A_225] {strides = array<i32>} : memref<512xi32, #tpu.memory_space<vmem>>, vector<16xi32>,
    %get3A_227 = vector.shape_cast %get3A_226 : vector<16xi32> to vector<16xi32>
    %mul3A_228 = arith.constant 196 : i32
    %mul3A_229 = vector.broadcast %mul3A_228 : i32 to vector<16xi32>
    %mul3A_230 = arith.muli %get3A_227, %mul3A_229 : vector<16xi32>
    %get3A_231 = arith.constant 256 : index
    %get3A_232 = tpu.vector_load %arg6[%get3A_231] {strides = array<i32>} : memref<512xi32, #tpu.memory_space<vmem>>, vector<16xi32>,
    %get3A_233 = vector.shape_cast %get3A_232 : vector<16xi32> to vector<16xi32>
    %add3A_234 = arith.addi %mul3A_230, %get3A_233 : vector<16xi32>
    %swap3A_235 = arith.constant 256 : index
    %swap3A_236 = tpu.vector_load %arg7[%swap3A_235] {strides = array<i32>} : memref<512xi32, #tpu.memory_space<vmem>>, vector<16xi32>,
    %swap3A_237 = vector.shape_cast %swap3A_236 : vector<16xi32> to vector<16xi32>
    %swap3A_238 = vector.shape_cast %add3A_234 : vector<16xi32> to vector<16xi32>
    tpu.vector_store %arg7[%swap3A_235], %swap3A_238 {strides = array<i32>} : memref<512xi32, #tpu.memory_space<vmem>>, vector<16xi32>,
    %get3A_239 = arith.constant 272 : index
    %get3A_240 = tpu.vector_load %arg7[%get3A_239] {strides = array<i32>} : memref<512xi32, #tpu.memory_space<vmem>>, vector<16xi32>,
    %get3A_241 = vector.shape_cast %get3A_240 : vector<16xi32> to vector<16xi32>
    %mul3A_242 = arith.constant 196 : i32
    %mul3A_243 = vector.broadcast %mul3A_242 : i32 to vector<16xi32>
    %mul3A_244 = arith.muli %get3A_241, %mul3A_243 : vector<16xi32>
    %get3A_245 = arith.constant 272 : index
    %get3A_246 = tpu.vector_load %arg6[%get3A_245] {strides = array<i32>} : memref<512xi32, #tpu.memory_space<vmem>>, vector<16xi32>,
    %get3A_247 = vector.shape_cast %get3A_246 : vector<16xi32> to vector<16xi32>
    %add3A_248 = arith.addi %mul3A_244, %get3A_247 : vector<16xi32>
    %swap3A_249 = arith.constant 272 : index
    %swap3A_250 = tpu.vector_load %arg7[%swap3A_249] {strides = array<i32>} : memref<512xi32, #tpu.memory_space<vmem>>, vector<16xi32>,
    %swap3A_251 = vector.shape_cast %swap3A_250 : vector<16xi32> to vector<16xi32>
    %swap3A_252 = vector.shape_cast %add3A_248 : vector<16xi32> to vector<16xi32>
    tpu.vector_store %arg7[%swap3A_249], %swap3A_252 {strides = array<i32>} : memref<512xi32, #tpu.memory_space<vmem>>, vector<16xi32>,
    %get3A_253 = arith.constant 288 : index
    %get3A_254 = tpu.vector_load %arg7[%get3A_253] {strides = array<i32>} : memref<512xi32, #tpu.memory_space<vmem>>, vector<16xi32>,
    %get3A_255 = vector.shape_cast %get3A_254 : vector<16xi32> to vector<16xi32>
    %mul3A_256 = arith.constant 196 : i32
    %mul3A_257 = vector.broadcast %mul3A_256 : i32 to vector<16xi32>
    %mul3A_258 = arith.muli %get3A_255, %mul3A_257 : vector<16xi32>
    %get3A_259 = arith.constant 288 : index
    %get3A_260 = tpu.vector_load %arg6[%get3A_259] {strides = array<i32>} : memref<512xi32, #tpu.memory_space<vmem>>, vector<16xi32>,
    %get3A_261 = vector.shape_cast %get3A_260 : vector<16xi32> to vector<16xi32>
    %add3A_262 = arith.addi %mul3A_258, %get3A_261 : vector<16xi32>
    %swap3A_263 = arith.constant 288 : index
    %swap3A_264 = tpu.vector_load %arg7[%swap3A_263] {strides = array<i32>} : memref<512xi32, #tpu.memory_space<vmem>>, vector<16xi32>,
    %swap3A_265 = vector.shape_cast %swap3A_264 : vector<16xi32> to vector<16xi32>
    %swap3A_266 = vector.shape_cast %add3A_262 : vector<16xi32> to vector<16xi32>
    tpu.vector_store %arg7[%swap3A_263], %swap3A_266 {strides = array<i32>} : memref<512xi32, #tpu.memory_space<vmem>>, vector<16xi32>,
    %get3A_267 = arith.constant 304 : index
    %get3A_268 = tpu.vector_load %arg7[%get3A_267] {strides = array<i32>} : memref<512xi32, #tpu.memory_space<vmem>>, vector<16xi32>,
    %get3A_269 = vector.shape_cast %get3A_268 : vector<16xi32> to vector<16xi32>
    %mul3A_270 = arith.constant 196 : i32
    %mul3A_271 = vector.broadcast %mul3A_270 : i32 to vector<16xi32>
    %mul3A_272 = arith.muli %get3A_269, %mul3A_271 : vector<16xi32>
    %get3A_273 = arith.constant 304 : index
    %get3A_274 = tpu.vector_load %arg6[%get3A_273] {strides = array<i32>} : memref<512xi32, #tpu.memory_space<vmem>>, vector<16xi32>,
    %get3A_275 = vector.shape_cast %get3A_274 : vector<16xi32> to vector<16xi32>
    %add3A_276 = arith.addi %mul3A_272, %get3A_275 : vector<16xi32>
    %swap3A_277 = arith.constant 304 : index
    %swap3A_278 = tpu.vector_load %arg7[%swap3A_277] {strides = array<i32>} : memref<512xi32, #tpu.memory_space<vmem>>, vector<16xi32>,
    %swap3A_279 = vector.shape_cast %swap3A_278 : vector<16xi32> to vector<16xi32>
    %swap3A_280 = vector.shape_cast %add3A_276 : vector<16xi32> to vector<16xi32>
    tpu.vector_store %arg7[%swap3A_277], %swap3A_280 {strides = array<i32>} : memref<512xi32, #tpu.memory_space<vmem>>, vector<16xi32>,
    %get3A_281 = arith.constant 320 : index
    %get3A_282 = tpu.vector_load %arg7[%get3A_281] {strides = array<i32>} : memref<512xi32, #tpu.memory_space<vmem>>, vector<16xi32>,
    %get3A_283 = vector.shape_cast %get3A_282 : vector<16xi32> to vector<16xi32>
    %mul3A_284 = arith.constant 196 : i32
    %mul3A_285 = vector.broadcast %mul3A_284 : i32 to vector<16xi32>
    %mul3A_286 = arith.muli %get3A_283, %mul3A_285 : vector<16xi32>
    %get3A_287 = arith.constant 320 : index
    %get3A_288 = tpu.vector_load %arg6[%get3A_287] {strides = array<i32>} : memref<512xi32, #tpu.memory_space<vmem>>, vector<16xi32>,
    %get3A_289 = vector.shape_cast %get3A_288 : vector<16xi32> to vector<16xi32>
    %add3A_290 = arith.addi %mul3A_286, %get3A_289 : vector<16xi32>
    %swap3A_291 = arith.constant 320 : index
    %swap3A_292 = tpu.vector_load %arg7[%swap3A_291] {strides = array<i32>} : memref<512xi32, #tpu.memory_space<vmem>>, vector<16xi32>,
    %swap3A_293 = vector.shape_cast %swap3A_292 : vector<16xi32> to vector<16xi32>
    %swap3A_294 = vector.shape_cast %add3A_290 : vector<16xi32> to vector<16xi32>
    tpu.vector_store %arg7[%swap3A_291], %swap3A_294 {strides = array<i32>} : memref<512xi32, #tpu.memory_space<vmem>>, vector<16xi32>,
    %get3A_295 = arith.constant 336 : index
    %get3A_296 = tpu.vector_load %arg7[%get3A_295] {strides = array<i32>} : memref<512xi32, #tpu.memory_space<vmem>>, vector<16xi32>,
    %get3A_297 = vector.shape_cast %get3A_296 : vector<16xi32> to vector<16xi32>
    %mul3A_298 = arith.constant 196 : i32
    %mul3A_299 = vector.broadcast %mul3A_298 : i32 to vector<16xi32>
    %mul3A_300 = arith.muli %get3A_297, %mul3A_299 : vector<16xi32>
    %get3A_301 = arith.constant 336 : index
    %get3A_302 = tpu.vector_load %arg6[%get3A_301] {strides = array<i32>} : memref<512xi32, #tpu.memory_space<vmem>>, vector<16xi32>,
    %get3A_303 = vector.shape_cast %get3A_302 : vector<16xi32> to vector<16xi32>
    %add3A_304 = arith.addi %mul3A_300, %get3A_303 : vector<16xi32>
    %swap3A_305 = arith.constant 336 : index
    %swap3A_306 = tpu.vector_load %arg7[%swap3A_305] {strides = array<i32>} : memref<512xi32, #tpu.memory_space<vmem>>, vector<16xi32>,
    %swap3A_307 = vector.shape_cast %swap3A_306 : vector<16xi32> to vector<16xi32>
    %swap3A_308 = vector.shape_cast %add3A_304 : vector<16xi32> to vector<16xi32>
    tpu.vector_store %arg7[%swap3A_305], %swap3A_308 {strides = array<i32>} : memref<512xi32, #tpu.memory_space<vmem>>, vector<16xi32>,
    %get3A_309 = arith.constant 352 : index
    %get3A_310 = tpu.vector_load %arg7[%get3A_309] {strides = array<i32>} : memref<512xi32, #tpu.memory_space<vmem>>, vector<16xi32>,
    %get3A_311 = vector.shape_cast %get3A_310 : vector<16xi32> to vector<16xi32>
    %mul3A_312 = arith.constant 196 : i32
    %mul3A_313 = vector.broadcast %mul3A_312 : i32 to vector<16xi32>
    %mul3A_314 = arith.muli %get3A_311, %mul3A_313 : vector<16xi32>
    %get3A_315 = arith.constant 352 : index
    %get3A_316 = tpu.vector_load %arg6[%get3A_315] {strides = array<i32>} : memref<512xi32, #tpu.memory_space<vmem>>, vector<16xi32>,
    %get3A_317 = vector.shape_cast %get3A_316 : vector<16xi32> to vector<16xi32>
    %add3A_318 = arith.addi %mul3A_314, %get3A_317 : vector<16xi32>
    %swap3A_319 = arith.constant 352 : index
    %swap3A_320 = tpu.vector_load %arg7[%swap3A_319] {strides = array<i32>} : memref<512xi32, #tpu.memory_space<vmem>>, vector<16xi32>,
    %swap3A_321 = vector.shape_cast %swap3A_320 : vector<16xi32> to vector<16xi32>
    %swap3A_322 = vector.shape_cast %add3A_318 : vector<16xi32> to vector<16xi32>
    tpu.vector_store %arg7[%swap3A_319], %swap3A_322 {strides = array<i32>} : memref<512xi32, #tpu.memory_space<vmem>>, vector<16xi32>,
    %get3A_323 = arith.constant 368 : index
    %get3A_324 = tpu.vector_load %arg7[%get3A_323] {strides = array<i32>} : memref<512xi32, #tpu.memory_space<vmem>>, vector<16xi32>,
    %get3A_325 = vector.shape_cast %get3A_324 : vector<16xi32> to vector<16xi32>
    %mul3A_326 = arith.constant 196 : i32
    %mul3A_327 = vector.broadcast %mul3A_326 : i32 to vector<16xi32>
    %mul3A_328 = arith.muli %get3A_325, %mul3A_327 : vector<16xi32>
    %get3A_329 = arith.constant 368 : index
    %get3A_330 = tpu.vector_load %arg6[%get3A_329] {strides = array<i32>} : memref<512xi32, #tpu.memory_space<vmem>>, vector<16xi32>,
    %get3A_331 = vector.shape_cast %get3A_330 : vector<16xi32> to vector<16xi32>
    %add3A_332 = arith.addi %mul3A_328, %get3A_331 : vector<16xi32>
    %swap3A_333 = arith.constant 368 : index
    %swap3A_334 = tpu.vector_load %arg7[%swap3A_333] {strides = array<i32>} : memref<512xi32, #tpu.memory_space<vmem>>, vector<16xi32>,
    %swap3A_335 = vector.shape_cast %swap3A_334 : vector<16xi32> to vector<16xi32>
    %swap3A_336 = vector.shape_cast %add3A_332 : vector<16xi32> to vector<16xi32>
    tpu.vector_store %arg7[%swap3A_333], %swap3A_336 {strides = array<i32>} : memref<512xi32, #tpu.memory_space<vmem>>, vector<16xi32>,
    %get3A_337 = arith.constant 384 : index
    %get3A_338 = tpu.vector_load %arg7[%get3A_337] {strides = array<i32>} : memref<512xi32, #tpu.memory_space<vmem>>, vector<16xi32>,
    %get3A_339 = vector.shape_cast %get3A_338 : vector<16xi32> to vector<16xi32>
    %mul3A_340 = arith.constant 196 : i32
    %mul3A_341 = vector.broadcast %mul3A_340 : i32 to vector<16xi32>
    %mul3A_342 = arith.muli %get3A_339, %mul3A_341 : vector<16xi32>
    %get3A_343 = arith.constant 384 : index
    %get3A_344 = tpu.vector_load %arg6[%get3A_343] {strides = array<i32>} : memref<512xi32, #tpu.memory_space<vmem>>, vector<16xi32>,
    %get3A_345 = vector.shape_cast %get3A_344 : vector<16xi32> to vector<16xi32>
    %add3A_346 = arith.addi %mul3A_342, %get3A_345 : vector<16xi32>
    %swap3A_347 = arith.constant 384 : index
    %swap3A_348 = tpu.vector_load %arg7[%swap3A_347] {strides = array<i32>} : memref<512xi32, #tpu.memory_space<vmem>>, vector<16xi32>,
    %swap3A_349 = vector.shape_cast %swap3A_348 : vector<16xi32> to vector<16xi32>
    %swap3A_350 = vector.shape_cast %add3A_346 : vector<16xi32> to vector<16xi32>
    tpu.vector_store %arg7[%swap3A_347], %swap3A_350 {strides = array<i32>} : memref<512xi32, #tpu.memory_space<vmem>>, vector<16xi32>,
    %get3A_351 = arith.constant 400 : index
    %get3A_352 = tpu.vector_load %arg7[%get3A_351] {strides = array<i32>} : memref<512xi32, #tpu.memory_space<vmem>>, vector<16xi32>,
    %get3A_353 = vector.shape_cast %get3A_352 : vector<16xi32> to vector<16xi32>
    %mul3A_354 = arith.constant 196 : i32
    %mul3A_355 = vector.broadcast %mul3A_354 : i32 to vector<16xi32>
    %mul3A_356 = arith.muli %get3A_353, %mul3A_355 : vector<16xi32>
    %get3A_357 = arith.constant 400 : index
    %get3A_358 = tpu.vector_load %arg6[%get3A_357] {strides = array<i32>} : memref<512xi32, #tpu.memory_space<vmem>>, vector<16xi32>,
    %get3A_359 = vector.shape_cast %get3A_358 : vector<16xi32> to vector<16xi32>
    %add3A_360 = arith.addi %mul3A_356, %get3A_359 : vector<16xi32>
    %swap3A_361 = arith.constant 400 : index
    %swap3A_362 = tpu.vector_load %arg7[%swap3A_361] {strides = array<i32>} : memref<512xi32, #tpu.memory_space<vmem>>, vector<16xi32>,
    %swap3A_363 = vector.shape_cast %swap3A_362 : vector<16xi32> to vector<16xi32>
    %swap3A_364 = vector.shape_cast %add3A_360 : vector<16xi32> to vector<16xi32>
    tpu.vector_store %arg7[%swap3A_361], %swap3A_364 {strides = array<i32>} : memref<512xi32, #tpu.memory_space<vmem>>, vector<16xi32>,
    %get3A_365 = arith.constant 416 : index
    %get3A_366 = tpu.vector_load %arg7[%get3A_365] {strides = array<i32>} : memref<512xi32, #tpu.memory_space<vmem>>, vector<16xi32>,
    %get3A_367 = vector.shape_cast %get3A_366 : vector<16xi32> to vector<16xi32>
    %mul3A_368 = arith.constant 196 : i32
    %mul3A_369 = vector.broadcast %mul3A_368 : i32 to vector<16xi32>
    %mul3A_370 = arith.muli %get3A_367, %mul3A_369 : vector<16xi32>
    %get3A_371 = arith.constant 416 : index
    %get3A_372 = tpu.vector_load %arg6[%get3A_371] {strides = array<i32>} : memref<512xi32, #tpu.memory_space<vmem>>, vector<16xi32>,
    %get3A_373 = vector.shape_cast %get3A_372 : vector<16xi32> to vector<16xi32>
    %add3A_374 = arith.addi %mul3A_370, %get3A_373 : vector<16xi32>
    %swap3A_375 = arith.constant 416 : index
    %swap3A_376 = tpu.vector_load %arg7[%swap3A_375] {strides = array<i32>} : memref<512xi32, #tpu.memory_space<vmem>>, vector<16xi32>,
    %swap3A_377 = vector.shape_cast %swap3A_376 : vector<16xi32> to vector<16xi32>
    %swap3A_378 = vector.shape_cast %add3A_374 : vector<16xi32> to vector<16xi32>
    tpu.vector_store %arg7[%swap3A_375], %swap3A_378 {strides = array<i32>} : memref<512xi32, #tpu.memory_space<vmem>>, vector<16xi32>,
    %get3A_379 = arith.constant 432 : index
    %get3A_380 = tpu.vector_load %arg7[%get3A_379] {strides = array<i32>} : memref<512xi32, #tpu.memory_space<vmem>>, vector<16xi32>,
    %get3A_381 = vector.shape_cast %get3A_380 : vector<16xi32> to vector<16xi32>
    %mul3A_382 = arith.constant 196 : i32
    %mul3A_383 = vector.broadcast %mul3A_382 : i32 to vector<16xi32>
    %mul3A_384 = arith.muli %get3A_381, %mul3A_383 : vector<16xi32>
    %get3A_385 = arith.constant 432 : index
    %get3A_386 = tpu.vector_load %arg6[%get3A_385] {strides = array<i32>} : memref<512xi32, #tpu.memory_space<vmem>>, vector<16xi32>,
    %get3A_387 = vector.shape_cast %get3A_386 : vector<16xi32> to vector<16xi32>
    %add3A_388 = arith.addi %mul3A_384, %get3A_387 : vector<16xi32>
    %swap3A_389 = arith.constant 432 : index
    %swap3A_390 = tpu.vector_load %arg7[%swap3A_389] {strides = array<i32>} : memref<512xi32, #tpu.memory_space<vmem>>, vector<16xi32>,
    %swap3A_391 = vector.shape_cast %swap3A_390 : vector<16xi32> to vector<16xi32>
    %swap3A_392 = vector.shape_cast %add3A_388 : vector<16xi32> to vector<16xi32>
    tpu.vector_store %arg7[%swap3A_389], %swap3A_392 {strides = array<i32>} : memref<512xi32, #tpu.memory_space<vmem>>, vector<16xi32>,
    %get3A_393 = arith.constant 448 : index
    %get3A_394 = tpu.vector_load %arg7[%get3A_393] {strides = array<i32>} : memref<512xi32, #tpu.memory_space<vmem>>, vector<16xi32>,
    %get3A_395 = vector.shape_cast %get3A_394 : vector<16xi32> to vector<16xi32>
    %mul3A_396 = arith.constant 196 : i32
    %mul3A_397 = vector.broadcast %mul3A_396 : i32 to vector<16xi32>
    %mul3A_398 = arith.muli %get3A_395, %mul3A_397 : vector<16xi32>
    %get3A_399 = arith.constant 448 : index
    %get3A_400 = tpu.vector_load %arg6[%get3A_399] {strides = array<i32>} : memref<512xi32, #tpu.memory_space<vmem>>, vector<16xi32>,
    %get3A_401 = vector.shape_cast %get3A_400 : vector<16xi32> to vector<16xi32>
    %add3A_402 = arith.addi %mul3A_398, %get3A_401 : vector<16xi32>
    %swap3A_403 = arith.constant 448 : index
    %swap3A_404 = tpu.vector_load %arg7[%swap3A_403] {strides = array<i32>} : memref<512xi32, #tpu.memory_space<vmem>>, vector<16xi32>,
    %swap3A_405 = vector.shape_cast %swap3A_404 : vector<16xi32> to vector<16xi32>
    %swap3A_406 = vector.shape_cast %add3A_402 : vector<16xi32> to vector<16xi32>
    tpu.vector_store %arg7[%swap3A_403], %swap3A_406 {strides = array<i32>} : memref<512xi32, #tpu.memory_space<vmem>>, vector<16xi32>,
    %get3A_407 = arith.constant 464 : index
    %get3A_408 = tpu.vector_load %arg7[%get3A_407] {strides = array<i32>} : memref<512xi32, #tpu.memory_space<vmem>>, vector<16xi32>,
    %get3A_409 = vector.shape_cast %get3A_408 : vector<16xi32> to vector<16xi32>
    %mul3A_410 = arith.constant 196 : i32
    %mul3A_411 = vector.broadcast %mul3A_410 : i32 to vector<16xi32>
    %mul3A_412 = arith.muli %get3A_409, %mul3A_411 : vector<16xi32>
    %get3A_413 = arith.constant 464 : index
    %get3A_414 = tpu.vector_load %arg6[%get3A_413] {strides = array<i32>} : memref<512xi32, #tpu.memory_space<vmem>>, vector<16xi32>,
    %get3A_415 = vector.shape_cast %get3A_414 : vector<16xi32> to vector<16xi32>
    %add3A_416 = arith.addi %mul3A_412, %get3A_415 : vector<16xi32>
    %swap3A_417 = arith.constant 464 : index
    %swap3A_418 = tpu.vector_load %arg7[%swap3A_417] {strides = array<i32>} : memref<512xi32, #tpu.memory_space<vmem>>, vector<16xi32>,
    %swap3A_419 = vector.shape_cast %swap3A_418 : vector<16xi32> to vector<16xi32>
    %swap3A_420 = vector.shape_cast %add3A_416 : vector<16xi32> to vector<16xi32>
    tpu.vector_store %arg7[%swap3A_417], %swap3A_420 {strides = array<i32>} : memref<512xi32, #tpu.memory_space<vmem>>, vector<16xi32>,
    %get3A_421 = arith.constant 480 : index
    %get3A_422 = tpu.vector_load %arg7[%get3A_421] {strides = array<i32>} : memref<512xi32, #tpu.memory_space<vmem>>, vector<16xi32>,
    %get3A_423 = vector.shape_cast %get3A_422 : vector<16xi32> to vector<16xi32>
    %mul3A_424 = arith.constant 196 : i32
    %mul3A_425 = vector.broadcast %mul3A_424 : i32 to vector<16xi32>
    %mul3A_426 = arith.muli %get3A_423, %mul3A_425 : vector<16xi32>
    %get3A_427 = arith.constant 480 : index
    %get3A_428 = tpu.vector_load %arg6[%get3A_427] {strides = array<i32>} : memref<512xi32, #tpu.memory_space<vmem>>, vector<16xi32>,
    %get3A_429 = vector.shape_cast %get3A_428 : vector<16xi32> to vector<16xi32>
    %add3A_430 = arith.addi %mul3A_426, %get3A_429 : vector<16xi32>
    %swap3A_431 = arith.constant 480 : index
    %swap3A_432 = tpu.vector_load %arg7[%swap3A_431] {strides = array<i32>} : memref<512xi32, #tpu.memory_space<vmem>>, vector<16xi32>,
    %swap3A_433 = vector.shape_cast %swap3A_432 : vector<16xi32> to vector<16xi32>
    %swap3A_434 = vector.shape_cast %add3A_430 : vector<16xi32> to vector<16xi32>
    tpu.vector_store %arg7[%swap3A_431], %swap3A_434 {strides = array<i32>} : memref<512xi32, #tpu.memory_space<vmem>>, vector<16xi32>,
    %get3A_435 = arith.constant 496 : index
    %get3A_436 = tpu.vector_load %arg7[%get3A_435] {strides = array<i32>} : memref<512xi32, #tpu.memory_space<vmem>>, vector<16xi32>,
    %get3A_437 = vector.shape_cast %get3A_436 : vector<16xi32> to vector<16xi32>
    %mul3A_438 = arith.constant 196 : i32
    %mul3A_439 = vector.broadcast %mul3A_438 : i32 to vector<16xi32>
    %mul3A_440 = arith.muli %get3A_437, %mul3A_439 : vector<16xi32>
    %get3A_441 = arith.constant 496 : index
    %get3A_442 = tpu.vector_load %arg6[%get3A_441] {strides = array<i32>} : memref<512xi32, #tpu.memory_space<vmem>>, vector<16xi32>,
    %get3A_443 = vector.shape_cast %get3A_442 : vector<16xi32> to vector<16xi32>
    %add3A_444 = arith.addi %mul3A_440, %get3A_443 : vector<16xi32>
    %swap3A_445 = arith.constant 496 : index
    %swap3A_446 = tpu.vector_load %arg7[%swap3A_445] {strides = array<i32>} : memref<512xi32, #tpu.memory_space<vmem>>, vector<16xi32>,
    %swap3A_447 = vector.shape_cast %swap3A_446 : vector<16xi32> to vector<16xi32>
    %swap3A_448 = vector.shape_cast %add3A_444 : vector<16xi32> to vector<16xi32>
    tpu.vector_store %arg7[%swap3A_445], %swap3A_448 {strides = array<i32>} : memref<512xi32, #tpu.memory_space<vmem>>, vector<16xi32>,
    %dma_start3A = arith.constant 0 : i32
    %dma_start3A_449 = arith.constant 0 : i32
    %dma_start3A_450 = tpu.memref_slice %arg8[%dma_start3A, %dma_start3A_449] : memref<512x208xf32, #tpu.memory_space<vmem>> -> memref<128x208xf32, #tpu.memory_space<vmem>>
    %dma_start3A_451 = arith.constant 0 : i32
    %dma_start3A_452 = tpu.memref_slice %arg7[%dma_start3A_451] : memref<512xi32, #tpu.memory_space<vmem>> -> memref<128xi32, #tpu.memory_space<vmem>>
    %dma_start3A_453 = arith.constant 0 : i32
    %dma_start3A_454 = arith.constant 0 : i32
    %dma_start3A_455 = tpu.memref_slice %arg2[%dma_start3A_453, %dma_start3A_454] : memref<9604x208xf32, #tpu.memory_space<hbm>> -> memref<9604x208xf32, #tpu.memory_space<hbm>>
    tpu.enqueue_indirect_dma source(%dma_start3A_455 : memref<9604x208xf32, #tpu.memory_space<hbm>>) target(%dma_start3A_450 : memref<128x208xf32, #tpu.memory_space<vmem>>) offsets(%dma_start3A_452 : memref<128xi32, #tpu.memory_space<vmem>>) semaphore(%arg9 : memref<!tpu.dma_semaphore, #tpu.memory_space<semaphore_mem>>)
    %dma_start3A_456 = arith.constant 128 : i32
    %dma_start3A_457 = arith.constant 0 : i32
    %dma_start3A_458 = tpu.memref_slice %arg8[%dma_start3A_456, %dma_start3A_457] : memref<512x208xf32, #tpu.memory_space<vmem>> -> memref<128x208xf32, #tpu.memory_space<vmem>>
    %dma_start3A_459 = arith.constant 128 : i32
    %dma_start3A_460 = tpu.memref_slice %arg7[%dma_start3A_459] : memref<512xi32, #tpu.memory_space<vmem>> -> memref<128xi32, #tpu.memory_space<vmem>>
    %dma_start3A_461 = arith.constant 0 : i32
    %dma_start3A_462 = arith.constant 0 : i32
    %dma_start3A_463 = tpu.memref_slice %arg2[%dma_start3A_461, %dma_start3A_462] : memref<9604x208xf32, #tpu.memory_space<hbm>> -> memref<9604x208xf32, #tpu.memory_space<hbm>>
    tpu.enqueue_indirect_dma source(%dma_start3A_463 : memref<9604x208xf32, #tpu.memory_space<hbm>>) target(%dma_start3A_458 : memref<128x208xf32, #tpu.memory_space<vmem>>) offsets(%dma_start3A_460 : memref<128xi32, #tpu.memory_space<vmem>>) semaphore(%arg9 : memref<!tpu.dma_semaphore, #tpu.memory_space<semaphore_mem>>)
    %dma_start3A_464 = arith.constant 256 : i32
    %dma_start3A_465 = arith.constant 0 : i32
    %dma_start3A_466 = tpu.memref_slice %arg8[%dma_start3A_464, %dma_start3A_465] : memref<512x208xf32, #tpu.memory_space<vmem>> -> memref<128x208xf32, #tpu.memory_space<vmem>>
    %dma_start3A_467 = arith.constant 256 : i32
    %dma_start3A_468 = tpu.memref_slice %arg7[%dma_start3A_467] : memref<512xi32, #tpu.memory_space<vmem>> -> memref<128xi32, #tpu.memory_space<vmem>>
    %dma_start3A_469 = arith.constant 0 : i32
    %dma_start3A_470 = arith.constant 0 : i32
    %dma_start3A_471 = tpu.memref_slice %arg2[%dma_start3A_469, %dma_start3A_470] : memref<9604x208xf32, #tpu.memory_space<hbm>> -> memref<9604x208xf32, #tpu.memory_space<hbm>>
    tpu.enqueue_indirect_dma source(%dma_start3A_471 : memref<9604x208xf32, #tpu.memory_space<hbm>>) target(%dma_start3A_466 : memref<128x208xf32, #tpu.memory_space<vmem>>) offsets(%dma_start3A_468 : memref<128xi32, #tpu.memory_space<vmem>>) semaphore(%arg9 : memref<!tpu.dma_semaphore, #tpu.memory_space<semaphore_mem>>)
    %dma_start3A_472 = arith.constant 384 : i32
    %dma_start3A_473 = arith.constant 0 : i32
    %dma_start3A_474 = tpu.memref_slice %arg8[%dma_start3A_472, %dma_start3A_473] : memref<512x208xf32, #tpu.memory_space<vmem>> -> memref<128x208xf32, #tpu.memory_space<vmem>>
    %dma_start3A_475 = arith.constant 384 : i32
    %dma_start3A_476 = tpu.memref_slice %arg7[%dma_start3A_475] : memref<512xi32, #tpu.memory_space<vmem>> -> memref<128xi32, #tpu.memory_space<vmem>>
    %dma_start3A_477 = arith.constant 0 : i32
    %dma_start3A_478 = arith.constant 0 : i32
    %dma_start3A_479 = tpu.memref_slice %arg2[%dma_start3A_477, %dma_start3A_478] : memref<9604x208xf32, #tpu.memory_space<hbm>> -> memref<9604x208xf32, #tpu.memory_space<hbm>>
    tpu.enqueue_indirect_dma source(%dma_start3A_479 : memref<9604x208xf32, #tpu.memory_space<hbm>>) target(%dma_start3A_474 : memref<128x208xf32, #tpu.memory_space<vmem>>) offsets(%dma_start3A_476 : memref<128xi32, #tpu.memory_space<vmem>>) semaphore(%arg9 : memref<!tpu.dma_semaphore, #tpu.memory_space<semaphore_mem>>)
    %dma_wait3A = arith.constant 0 : i32
    %dma_wait3A_480 = arith.constant 0 : i32
    %dma_wait3A_481 = tpu.memref_slice %arg8[%dma_wait3A, %dma_wait3A_480] : memref<512x208xf32, #tpu.memory_space<vmem>> -> memref<128x208xf32, #tpu.memory_space<vmem>>
    %dma_wait3A_482 = arith.constant 0 : i32
    %dma_wait3A_483 = tpu.memref_slice %arg7[%dma_wait3A_482] : memref<512xi32, #tpu.memory_space<vmem>> -> memref<128xi32, #tpu.memory_space<vmem>>
    %dma_wait3A_484 = arith.constant 0 : i32
    %dma_wait3A_485 = arith.constant 0 : i32
    %dma_wait3A_486 = tpu.memref_slice %arg2[%dma_wait3A_484, %dma_wait3A_485] : memref<9604x208xf32, #tpu.memory_space<hbm>> -> memref<9604x208xf32, #tpu.memory_space<hbm>>
    tpu.wait_indirect_dma semaphore(%arg9 : memref<!tpu.dma_semaphore, #tpu.memory_space<semaphore_mem>>) src(%dma_wait3A_486 : memref<9604x208xf32, #tpu.memory_space<hbm>>) dst(%dma_wait3A_481 : memref<128x208xf32, #tpu.memory_space<vmem>>)
    %dma_wait3A_487 = arith.constant 128 : i32
    %dma_wait3A_488 = arith.constant 0 : i32
    %dma_wait3A_489 = tpu.memref_slice %arg8[%dma_wait3A_487, %dma_wait3A_488] : memref<512x208xf32, #tpu.memory_space<vmem>> -> memref<128x208xf32, #tpu.memory_space<vmem>>
    %dma_wait3A_490 = arith.constant 128 : i32
    %dma_wait3A_491 = tpu.memref_slice %arg7[%dma_wait3A_490] : memref<512xi32, #tpu.memory_space<vmem>> -> memref<128xi32, #tpu.memory_space<vmem>>
    %dma_wait3A_492 = arith.constant 0 : i32
    %dma_wait3A_493 = arith.constant 0 : i32
    %dma_wait3A_494 = tpu.memref_slice %arg2[%dma_wait3A_492, %dma_wait3A_493] : memref<9604x208xf32, #tpu.memory_space<hbm>> -> memref<9604x208xf32, #tpu.memory_space<hbm>>
    tpu.wait_indirect_dma semaphore(%arg9 : memref<!tpu.dma_semaphore, #tpu.memory_space<semaphore_mem>>) src(%dma_wait3A_494 : memref<9604x208xf32, #tpu.memory_space<hbm>>) dst(%dma_wait3A_489 : memref<128x208xf32, #tpu.memory_space<vmem>>)
    %dma_wait3A_495 = arith.constant 256 : i32
    %dma_wait3A_496 = arith.constant 0 : i32
    %dma_wait3A_497 = tpu.memref_slice %arg8[%dma_wait3A_495, %dma_wait3A_496] : memref<512x208xf32, #tpu.memory_space<vmem>> -> memref<128x208xf32, #tpu.memory_space<vmem>>
    %dma_wait3A_498 = arith.constant 256 : i32
    %dma_wait3A_499 = tpu.memref_slice %arg7[%dma_wait3A_498] : memref<512xi32, #tpu.memory_space<vmem>> -> memref<128xi32, #tpu.memory_space<vmem>>
    %dma_wait3A_500 = arith.constant 0 : i32
    %dma_wait3A_501 = arith.constant 0 : i32
    %dma_wait3A_502 = tpu.memref_slice %arg2[%dma_wait3A_500, %dma_wait3A_501] : memref<9604x208xf32, #tpu.memory_space<hbm>> -> memref<9604x208xf32, #tpu.memory_space<hbm>>
    tpu.wait_indirect_dma semaphore(%arg9 : memref<!tpu.dma_semaphore, #tpu.memory_space<semaphore_mem>>) src(%dma_wait3A_502 : memref<9604x208xf32, #tpu.memory_space<hbm>>) dst(%dma_wait3A_497 : memref<128x208xf32, #tpu.memory_space<vmem>>)
    %dma_wait3A_503 = arith.constant 384 : i32
    %dma_wait3A_504 = arith.constant 0 : i32
    %dma_wait3A_505 = tpu.memref_slice %arg8[%dma_wait3A_503, %dma_wait3A_504] : memref<512x208xf32, #tpu.memory_space<vmem>> -> memref<128x208xf32, #tpu.memory_space<vmem>>
    %dma_wait3A_506 = arith.constant 384 : i32
    %dma_wait3A_507 = tpu.memref_slice %arg7[%dma_wait3A_506] : memref<512xi32, #tpu.memory_space<vmem>> -> memref<128xi32, #tpu.memory_space<vmem>>
    %dma_wait3A_508 = arith.constant 0 : i32
    %dma_wait3A_509 = arith.constant 0 : i32
    %dma_wait3A_510 = tpu.memref_slice %arg2[%dma_wait3A_508, %dma_wait3A_509] : memref<9604x208xf32, #tpu.memory_space<hbm>> -> memref<9604x208xf32, #tpu.memory_space<hbm>>
    tpu.wait_indirect_dma semaphore(%arg9 : memref<!tpu.dma_semaphore, #tpu.memory_space<semaphore_mem>>) src(%dma_wait3A_510 : memref<9604x208xf32, #tpu.memory_space<hbm>>) dst(%dma_wait3A_505 : memref<128x208xf32, #tpu.memory_space<vmem>>)
    "tpu.region"() ({
      %run_scoped3A = tpu.sem_alloc : memref<!tpu.dma_semaphore, #tpu.memory_space<semaphore_mem>>
      %dma_start3A_511 = arith.constant 0 : i32
      %dma_start3A_512 = tpu.memref_slice %arg5[%mul3A_2, %dma_start3A_511] : memref<16384x208xf32, #tpu.memory_space<hbm>> -> memref<512x208xf32, #tpu.memory_space<hbm>>
      %dma_start3A_513 = arith.constant 0 : i32
      %dma_start3A_514 = tpu.memref_slice %arg5[%mul3A_2, %dma_start3A_513] : memref<16384x208xf32, #tpu.memory_space<hbm>> -> memref<512x208xf32, #tpu.memory_space<hbm>>
      tpu.enqueue_dma source(%arg8 : memref<512x208xf32, #tpu.memory_space<vmem>>) target(%dma_start3A_514 : memref<512x208xf32, #tpu.memory_space<hbm>>) target_semaphore(%run_scoped3A : memref<!tpu.dma_semaphore, #tpu.memory_space<semaphore_mem>>)
      %dma_wait3A_515 = arith.constant 0 : i32
      %dma_wait3A_516 = tpu.memref_slice %arg5[%mul3A_2, %dma_wait3A_515] : memref<16384x208xf32, #tpu.memory_space<hbm>> -> memref<512x208xf32, #tpu.memory_space<hbm>>
      %dma_wait3A_517 = arith.constant 0 : i32
      %dma_wait3A_518 = tpu.memref_slice %arg5[%mul3A_2, %dma_wait3A_517] : memref<16384x208xf32, #tpu.memory_space<hbm>> -> memref<512x208xf32, #tpu.memory_space<hbm>>
      tpu.wait_dma2 semaphore(%run_scoped3A : memref<!tpu.dma_semaphore, #tpu.memory_space<semaphore_mem>>) src(%arg8 : memref<512x208xf32, #tpu.memory_space<vmem>>) dst(%dma_wait3A_518 : memref<512x208xf32, #tpu.memory_space<hbm>>)
      tpu.yield
    }) : () -> ()
    return
  }
}

module attributes {stable_mosaic.version = 14 : i64} {
  func.func @_tc_sample_body(%arg0: i32, %arg1: memref<1024x208xf32, #tpu.memory_space<vmem>>, %arg2: memref<1024x208xf32, #tpu.memory_space<vmem>>, %arg3: memref<1024xi32, #tpu.memory_space<vmem>>, %arg4: memref<1024xi32, #tpu.memory_space<vmem>>, %arg5: memref<1024xi32, #tpu.memory_space<vmem>>) attributes {dimension_semantics = [#tpu.dimension_semantics<arbitrary>], iteration_bounds = array<i64: 16>, scalar_prefetch = 0 : i64, scratch_operands = 0 : i64, tpu.core_type = #tpu.core_type<tc>, window_params = [{transform_indices = @transform_0, window_bounds = array<i64: 1024, 208>}, {transform_indices = @transform_1, window_bounds = array<i64: 1024, 208>}, {transform_indices = @transform_2, window_bounds = array<i64: 1024>}, {transform_indices = @transform_3, window_bounds = array<i64: 1024>}, {transform_indices = @transform_4, window_bounds = array<i64: 1024>}]} {
    %get3A = arith.constant 0 : index
    %get3A_0 = arith.constant 0 : index
    %get3A_1 = vector.load %arg2[%get3A, %get3A_0] : memref<1024x208xf32, #tpu.memory_space<vmem>>, vector<1024x208xf32>
    %get3A_2 = arith.constant 0 : index
    %get3A_3 = arith.constant 0 : index
    %get3A_4 = vector.load %arg1[%get3A_2, %get3A_3] : memref<1024x208xf32, #tpu.memory_space<vmem>>, vector<1024x208xf32>
    %add3A = arith.constant 9.99999996E-13 : f32
    %add3A_5 = vector.broadcast %add3A : f32 to vector<1024x208xf32>
    %add3A_6 = arith.addf %get3A_4, %add3A_5 : vector<1024x208xf32>
    %log3A = math.log %add3A_6 : vector<1024x208xf32>
    %add3A_7 = arith.addf %get3A_1, %log3A : vector<1024x208xf32>
    %iota3A = tpu.iota {dimensions = array<i32: 1>} : vector<1024x208xi32>
    %lt3A = arith.constant 196 : i32
    %lt3A_8 = vector.broadcast %lt3A : i32 to vector<1024x208xi32>
    %lt3A_9 = arith.cmpi slt, %iota3A, %lt3A_8 : vector<1024x208xi32>
    %jit3A = arith.constant 0xFF800000 : f32
    %broadcast_in_dim3A = vector.broadcast %jit3A : f32 to vector<1024x208xf32>
    %select_n3A = arith.select %lt3A_9, %add3A_7, %broadcast_in_dim3A : vector<1024x208xi1>, vector<1024x208xf32>
    %reduce_max3A = arith.constant dense<0xFF800000> : vector<1024xf32>
    %reduce_max3A_10 = vector.multi_reduction <maximumf>, %select_n3A, %reduce_max3A [1] : vector<1024x208xf32> to vector<1024xf32>
    %broadcast_in_dim3A_11 = vector.shape_cast %reduce_max3A_10 : vector<1024xf32> to vector<1024x1xf32>
    %eq3A = vector.broadcast %broadcast_in_dim3A_11 : vector<1024x1xf32> to vector<1024x208xf32>
    %eq3A_12 = arith.cmpf oeq, %select_n3A, %eq3A : vector<1024x208xf32>
    %jit3A_13 = arith.constant 208 : i32
    %broadcast_in_dim3A_14 = vector.broadcast %jit3A_13 : i32 to vector<1024x208xi32>
    %select_n3A_15 = arith.select %eq3A_12, %iota3A, %broadcast_in_dim3A_14 : vector<1024x208xi1>, vector<1024x208xi32>
    %reduce_min3A = arith.constant dense<2147483647> : vector<1024xi32>
    %reduce_min3A_16 = vector.multi_reduction <minsi>, %select_n3A_15, %reduce_min3A [1] : vector<1024x208xi32> to vector<1024xi32>
    %swap3A = arith.constant 0 : index
    %swap3A_17 = vector.load %arg4[%swap3A] : memref<1024xi32, #tpu.memory_space<vmem>>, vector<1024xi32>
    tpu.vector_store %arg4[%swap3A], %reduce_min3A_16 {strides = array<i32>} : memref<1024xi32, #tpu.memory_space<vmem>>, vector<1024xi32>,
    %jit3A_18 = arith.constant 49 : i32
    %eq3A_19 = arith.constant 0 : i32
    %eq3A_20 = arith.cmpi eq, %jit3A_18, %eq3A_19 : i32
    %jit3A_21 = arith.constant 1 : i32
    %select_n3A_22 = arith.select %eq3A_20, %jit3A_21, %jit3A_18 : i32
    %rem3A = vector.broadcast %select_n3A_22 : i32 to vector<1024xi32>
    %rem3A_23 = arith.remsi %reduce_min3A_16, %rem3A : vector<1024xi32>
    %ne3A = arith.constant 0 : i32
    %ne3A_24 = vector.broadcast %ne3A : i32 to vector<1024xi32>
    %ne3A_25 = arith.cmpi ne, %rem3A_23, %ne3A_24 : vector<1024xi32>
    %lt3A_26 = arith.constant 0 : i32
    %lt3A_27 = vector.broadcast %lt3A_26 : i32 to vector<1024xi32>
    %lt3A_28 = arith.cmpi slt, %rem3A_23, %lt3A_27 : vector<1024xi32>
    %lt3A_29 = arith.constant 0 : i32
    %lt3A_30 = arith.cmpi slt, %select_n3A_22, %lt3A_29 : i32
    %ne3A_31 = vector.broadcast %lt3A_30 : i1 to vector<1024xi1>
    %ne3A_32 = vector.broadcast %ne3A_31 : vector<1024xi1> to vector<1024xi1>
    %ne3A_33 = arith.xori %lt3A_28, %ne3A_32 : vector<1024xi1>
    %and3A = arith.andi %ne3A_33, %ne3A_25 : vector<1024xi1>
    %add3A_34 = vector.broadcast %select_n3A_22 : i32 to vector<1024xi32>
    %add3A_35 = arith.addi %rem3A_23, %add3A_34 : vector<1024xi32>
    %select_n3A_36 = arith.select %and3A, %add3A_35, %rem3A_23 : vector<1024xi1>, vector<1024xi32>
    %get3A_37 = arith.constant 0 : index
    %get3A_38 = vector.load %arg3[%get3A_37] : memref<1024xi32, #tpu.memory_space<vmem>>, vector<1024xi32>
    %eq3A_39 = arith.cmpi eq, %select_n3A_36, %get3A_38 : vector<1024xi32>
    %jit3A_40 = arith.constant 1 : i32
    %jit3A_41 = arith.constant 0 : i32
    %broadcast_in_dim3A_42 = vector.broadcast %jit3A_40 : i32 to vector<1024xi32>
    %broadcast_in_dim3A_43 = vector.broadcast %jit3A_41 : i32 to vector<1024xi32>
    %select_n3A_44 = arith.select %eq3A_39, %broadcast_in_dim3A_42, %broadcast_in_dim3A_43 : vector<1024xi1>, vector<1024xi32>
    %swap3A_45 = arith.constant 0 : index
    %swap3A_46 = vector.load %arg5[%swap3A_45] : memref<1024xi32, #tpu.memory_space<vmem>>, vector<1024xi32>
    tpu.vector_store %arg5[%swap3A_45], %select_n3A_44 {strides = array<i32>} : memref<1024xi32, #tpu.memory_space<vmem>>, vector<1024xi32>,
    return
  }
  func.func @transform_0(%arg0: i32) -> (i32, i32) {
    %c0_i32 = arith.constant 0 : i32
    %c0_i32_0 = arith.constant 0 : i32
    return %arg0, %c0_i32 : i32, i32
  }
  func.func @transform_1(%arg0: i32) -> (i32, i32) {
    %c0_i32 = arith.constant 0 : i32
    %c0_i32_0 = arith.constant 0 : i32
    return %arg0, %c0_i32 : i32, i32
  }
  func.func @transform_2(%arg0: i32) -> i32 {
    %c0_i32 = arith.constant 0 : i32
    return %arg0 : i32
  }
  func.func @transform_3(%arg0: i32) -> i32 {
    %c0_i32 = arith.constant 0 : i32
    return %arg0 : i32
  }
  func.func @transform_4(%arg0: i32) -> i32 {
    %c0_i32 = arith.constant 0 : i32
    return %arg0 : i32
  }
}

</mosaic_0001>

<sc_bundles>
// kernel: kernel.4.cloned.1.call-start
scs
__scs_entry_jumppad:
0x0: {  	(pc) =	sbr.rel $0x88, $3  }
0x1: {  	(tag) =	ssettag $0x0;
	lr =	simm.s32 $0x1  }
0x2: {  	[smem:$0x3F9E] =	sst lr;
	_ =	strace $0xD0000000  }
0x3: {  	_ = 	snop  }
0x4: {  	_ = 	snop  }
0x5: {  	_ = 	snop  }
0x6: {  	_ = 	snop  }
0x7: {  	_ = 	snop  }
__scs_overlays_trampoline_lowered:
0x8: {  	[smem:$0x3FAD] =	sst s0  }
0x9: {  	[smem:$0x3FAE] =	sst s1  }
0xa: {  	[smem:$0x3FAF] =	sst s2  }
0xb: {  	[smem:$0x3FB0] =	sst s3  }
0xc: {  	[smem:$0x3FB1] =	sst s4  }
0xd: {  	[smem:$0x3FB2] =	sst s5  }
0xe: {  	[smem:$0x3FB3] =	sst s6  }
0xf: {  	[smem:$0x3FB4] =	sst s7  }
0x10: {  	[smem:$0x3FB5] =	sst s8  }
0x11: {  	[smem:$0x3FB6] =	sst s9;
	s0 =	simm.s32 @!p0 $0x0  }
0x12: {  	s1 =	sld [smem:$0x3F9C];
	s0 =	simm.s32 @p0 $0x1  }
0x13: {  	[smem:$0x3FB7] =	sst s0;
	s0 =	simm.s32 @!p1 $0x0  }
0x14: {  	s2 =	sld [smem:$0x3F9B];
	s0 =	simm.s32 @p1 $0x1  }
0x15: {  	[smem:$0x3FB8] =	sst s0;
	s0 =	simm.s32 @!p2 $0x0  }
0x16: {  	s3 =	sld [smem:$0x3FDB];
	s0 =	simm.s32 @p2 $0x1  }
0x17: {  	s4 =	simm.s32 $0x1BF5;
	[smem:$0x3FBA] =	sst s0  }
0x18: {  	s0 =	sld [smem:$0x3F9D];
	_ =	swait.ge [sflag:s4], $0x0  }
0x19: {  	s7 =	sld [smem:$0x3F9E]  }
0x1a: {  	s8 =	sadd.s32 $0xFFFFE003, lr  }
0x1b: {  	s9 =	sadd.s32 $0xFFFFFEF7, lr;
	s5 =	simm.s32 $0xFFFFFFFF;
	p2 =	slt.u32 s8, $0xFFFFF086  }
0x1c: {  	p1 =	slt.u32 s9, $0xF7A;
	s5 =	simm.s32 @!p2 $0x0  }
0x1d: {  	s5 =	simm.s32 @p1 $0x1;
	p0 =	seq.s32 s7, s2  }
0x1e: {  	s7 =	smul.u32 @!p0 $0xF7A, s2;
	p2 =	seq.s32 @!p0 s5, $0x0  }
0x1f: {  	s9 =	smul.u32 $0xF7A, s1;
	s8 =	simm.s32 @!p0 $0x1BF5;
	p2 =	por !p2, p0  }
0x20: {  	[sflag:s8] =	ssyncset.s32 @!p0 $0xFFFFF086;
	s6 =	sadd.s32 @!p0 s3, s7;
	s7 =	simm.s32 @!p0 $0x108  }
0x21: {  	s3 =	sadd.s32 s3, s9;
	s6 =	sadd.s32 @!p0 $0x88, s6;
	s7 =	simm.s32 @p2 $0x1082  }
0x22: {  	[simem:s7], [sflag:s8] =	dma.local @!p0 [hbm:s6], $0xF7A  }
0x23: {  	s9 =	sor.u32 $0xD0000000, s2;
	s6 =	simm.s32 $0x108;
	_ =	swait.ge @!p0 [sflag:s8], $0x0  }
0x24: {  	s3 =	sadd.s32 $0x88, s3;
	s6 =	simm.s32 @!p1 $0x1082;
	[sflag:s4] =	ssyncset.s32 $0xFFFFF086  }
0x25: {  	[simem:s6], [sflag:s4] =	dma.local [hbm:s3], $0xF7A  }
0x26: {  	[smem:$0x3F9E] =	sst s1;
	(tag) =	ssettag s2;
	_ =	strace s9  }
0x27: {  	s1 =	sld [smem:$0x3FAE]  }
0x28: {  	s2 =	sld [smem:$0x3FAF]  }
0x29: {  	s4 =	sld [smem:$0x3FB1]  }
0x2a: {  	p0 =	seq.s32 s5, $0x0;
	s5 =	sld [smem:$0x3FB2]  }
0x2b: {  	s6 =	sld [smem:$0x3FB3]  }
0x2c: {  	s7 =	sld [smem:$0x3FB4]  }
0x2d: {  	s3 =	simm.s32 $0x108;
	s8 =	sld [smem:$0x3FB5]  }
0x2e: {  	s3 =	simm.s32 @!p0 $0x1082;
	s9 =	sld [smem:$0x3FB6]  }
0x2f: {  	lr =	sadd.s32 s0, s3;
	s0 =	sld [smem:$0x3FAD]  }
0x30: {  	s3 =	sld [smem:$0x3FB0]  }
0x31: {  	[smem:$0x3FB9] =	sst s10  }
0x32: {  	s10 =	sld [smem:$0x3FB7];
	_ =	sdelay $0x3  }
0x33: {  	p0 =	seq.s32 s10, $0x1;
	s10 =	sld [smem:$0x3FB9];
	_ =	sdelay $0x3  }
0x34: {  	[smem:$0x3FB9] =	sst s10  }
0x35: {  	s10 =	sld [smem:$0x3FB8];
	_ =	sdelay $0x3  }
0x36: {  	p1 =	seq.s32 s10, $0x1;
	s10 =	sld [smem:$0x3FB9];
	_ =	sdelay $0x3  }
0x37: {  	[smem:$0x3FB9] =	sst s10  }
0x38: {  	s10 =	sld [smem:$0x3FBA]  }
0x39: {  	_ = 	snop;
	(pc) =	sbr.ind lr, $3  }
0x3a: {  	_ = 	snop  }
0x3b: {  	_ = 	snop  }
0x3c: {  	p2 =	seq.s32 s10, $0x1;
	s10 =	sld [smem:$0x3FB9]  }
0x3d: {  	_ =	shalt  }
0x3e: {  	_ =	shalt  }
0x3f: {  	_ =	shalt  }
0x40: {  	_ =	shalt  }
0x41: {  	_ =	shalt  }
0x42: {  	_ =	shalt  }
0x43: {  	_ =	shalt  }
0x44: {  	_ =	shalt  }
0x45: {  	_ =	shalt  }
0x46: {  	_ =	shalt  }
0x47: {  	_ =	shalt  }
0x48: {  	_ =	shalt  }
0x49: {  	_ =	shalt  }
0x4a: {  	_ =	shalt  }
0x4b: {  	_ =	shalt  }
0x4c: {  	_ =	shalt  }
0x4d: {  	_ =	shalt  }
0x4e: {  	_ =	shalt  }
0x4f: {  	_ =	shalt  }
0x50: {  	_ =	shalt  }
0x51: {  	_ =	shalt  }
0x52: {  	_ =	shalt  }
0x53: {  	_ =	shalt  }
0x54: {  	_ =	shalt  }
0x55: {  	_ =	shalt  }
0x56: {  	_ =	shalt  }
0x57: {  	_ =	shalt  }
0x58: {  	_ =	shalt  }
0x59: {  	_ =	shalt  }
0x5a: {  	_ =	shalt  }
0x5b: {  	_ =	shalt  }
0x5c: {  	_ =	shalt  }
0x5d: {  	_ =	shalt  }
0x5e: {  	_ =	shalt  }
0x5f: {  	_ =	shalt  }
0x60: {  	_ =	shalt  }
0x61: {  	_ =	shalt  }
0x62: {  	_ =	shalt  }
0x63: {  	_ =	shalt  }
0x64: {  	_ =	shalt  }
0x65: {  	_ =	shalt  }
0x66: {  	_ =	shalt  }
0x67: {  	_ =	shalt  }
0x68: {  	_ =	shalt  }
0x69: {  	_ =	shalt  }
0x6a: {  	_ =	shalt  }
0x6b: {  	_ =	shalt  }
0x6c: {  	_ =	shalt  }
0x6d: {  	_ =	shalt  }
0x6e: {  	_ =	shalt  }
0x6f: {  	_ =	shalt  }
0x70: {  	_ =	shalt  }
0x71: {  	_ =	shalt  }
0x72: {  	_ =	shalt  }
0x73: {  	_ =	shalt  }
0x74: {  	_ =	shalt  }
0x75: {  	_ =	shalt  }
0x76: {  	_ =	shalt  }
0x77: {  	_ =	shalt  }
0x78: {  	_ =	shalt  }
0x79: {  	_ =	shalt  }
0x7a: {  	_ =	shalt  }
0x7b: {  	_ =	shalt  }
0x7c: {  	_ =	shalt  }
0x7d: {  	_ =	shalt  }
0x7e: {  	_ =	shalt  }
0x7f: {  	_ =	shalt  }
0x80: {  	_ =	shalt  }
0x81: {  	_ =	shalt  }
0x82: {  	_ =	shalt  }
0x83: {  	_ =	shalt  }
0x84: {  	_ =	shalt  }
0x85: {  	_ =	shalt  }
0x86: {  	_ =	shalt  }
0x87: {  	_ =	shalt  }
.Lfunc_end0:
.L_simem_size_0:
called_computation_lowered:
.L_overlay_start_0:
0x88: {  	s2 =	sld [smem:$0x3FD9]  }
0x89: {  	s3 =	sld [smem:$0x3FFE];
	_ =	sdelay $0x1  }
0x8a: {  	s1 =	srdreg.scid  }
0x8b: {  	s0 =	sand.u32 $0x1, s1  }
0x8c: {  	s17 =	sshll.u32 s0, $0xA;
	s2 =	sadd.s32 s3, s2  }
0x8d: {  	s2 =	sadd.s32 s2, s17  }
0x8e: {  	[smem:$0x3FC5] =	sst s2  }
0x8f: {  	_ = 	snop  }
0x90: {  	s2 =	sld [smem:$0x3FC9]  }
0x91: {  	s18 =	sld [smem:$0x3FC8];
	(tm) =	ssettm $0x1  }
0x92: {  	s4 =	sld [smem:$0x3FFB];
	_ =	sdelay $0x3  }
0x93: {  	_ =	strace s4  }
0x94: {  	s4 =	sld [smem:$0x3FFC];
	_ =	sdelay $0x3  }
0x95: {  	_ =	strace s4  }
0x96: {  	s4 =	sld [smem:$0x3FFD];
	_ =	sdelay $0x3  }
0x97: {  	_ =	strace s4  }
0x98: {  	_ =	strace $0x8FFFFFFF  }
0x99: {  	s19 =	sld [smem:$0x3FDB];
	_ =	sdelay $0x1  }
0x9a: {  	s5 =	simm.s32 $_scs_section_size  }
0x9b: {  	s6 =	simm.s32 $_size__tile_overlayer_lowered;
	s7 =	simm.s32 $_tile_overlayer_lowered  }
0x9c: {  	s22 =	simm.s32 $0x1BFF;
	s21 =	sshll.u32 s7, $0x1;
	s4 =	sadd.s32 s5, s19  }
0x9d: {  	s8 =	simm.s32 $0x0;
	s20 =	sshll.u32 s6, $0x1;
	s6 =	sadd.s32 s21, s4  }
0x9e: {  	[timem:s8], [sflag:s22] =	dma.local [hbm:s6], s20  }
0x9f: {  	_ =	swait.ge [sflag:s22], s20  }
0xa0: {  	s5 =	ssub.s32 $0x0, s20;
	[sflag:s22] =	ssyncset.done $0x0  }
0xa1: {  	[sflag:s22] =	ssyncadd.s32 s5;
	_ =	sdelay $0x1  }
0xa2: {  	s23 =	simm.s32 $0x1B8B  }
0xa3: {  	_ =	swait.ge [sflag:s23], $0x1  }
0xa4: {  	[sflag:s23] =	ssyncset.done $0x0  }
0xa5: {  	s25 =	simm.s32 $0x1B8E;
	s24 =	sld [smem:$0x3FFE];
	[sflag:s23] =	ssyncadd.s32 $0xFFFFFFFF  }
0xa6: {  	s26 =	simm.s32 $execute0_lowered;
	[smem:$0x3FD2] =	sst s25  }
0xa7: {  	s6 =	sshll.u32 s26, $0x1;
	_ =	strace $0x80000046;
	[dreg:$0x1] =	wrdreg $0xFFFFFFFF  }
0xa8: {  	s28 =	simm.s32 $_size_execute0_lowered;
	s4 =	sadd.s32 s4, s6;
	[dreg:$0x0] =	wrdreg $0x0  }
0xa9: {  	s6 =	sshll.u32 s28, $0x1;
	[dreg:$0x2] =	wrdreg s4  }
0xaa: {  	[dreg:$0x3] =	wrdreg s6  }
0xab: {  	[dreg:$0x4] =	wrdreg $0xC0  }
0xac: {  	_ =	task [dreg:s8], $0x5FFFF  }
0xad: {  	[dreg:$0x1] =	wrdreg $0xFFFFFFFF  }
0xae: {  	[dreg:$0x0] =	wrdreg $0x60  }
0xaf: {  	[dreg:$0x2] =	wrdreg s24  }
0xb0: {  	[dreg:$0x3] =	wrdreg s2  }
0xb1: {  	[dreg:$0x4] =	wrdreg s18  }
0xb2: {  	[dreg:$0x5] =	wrdreg $0x9  }
0xb3: {  	_ =	task.clear_ibuf [dreg:s8], $0x6FFFF;
	_ =	strace $0x90000046  }
0xb4: {  	s29 =	simm.s32 $0x9;
	_ =	strace $0x80000048  }
0xb5: {  	_ =	swait.ge [sflag:s29], $0x1  }
0xb6: {  	[sflag:s29] =	ssyncadd.s32 $0xFFFFFFFF  }
0xb7: {  	_ =	strace $0x90000048  }
0xb8: {  	_ =	sfence  }
0xb9: {  	s30 =	sld [smem:$0x0];
	_ =	sdelay $0x2  }
0xba: {  	s31 =	sshll.u32 s1, $0xD;
	s1 =	sshrl.u32 s1, $0x2  }
0xbb: {  	s3 =	sand.u32 $0x4000, s31;
	s1 =	sadd.s32 s1, s30  }
0xbc: {  	s0 =	sor.u32 s3, s0;
	s1 =	sshll.u32 s1, $0x11  }
0xbd: {  	s0 =	sor.u32 s1, s0  }
0xbe: {  	s0 =	sadd.s32 $0x8F2B, s0  }
0xbf: {  	[sflag:s0] =	ssyncadd.remote.s32 $0x1  }
0xc0: {  	_ =	sfence.sel $0xFFFF  }
0xc1: {  	[dreg:$0x0] =	wrdreg $0xFFFFFFFF;
	(pc) =	sbr.abs _section_cstart, $3  }
0xc2: {  	[dreg:$0x1] =	wrdreg $0xFFFFFFFF  }
0xc3: {  	_ =	task.clear_ibuf [dreg:s8], $0x2FFFF;
	_ =	strace $0x9FFFFFFF  }
0xc4: {  	(tm) =	ssettm $0x7FFFFFFF  }
0xc5: {  	_ =	shalt  }
tec
execute0_lowered:
.L_overlay_start_1:
0x0: {  	(tag) =	ssettag $0x1  }
0x1: {  	s4 =	rddreg [dreg:$0x0]  }
0x2: {  	s1 =	srdreg.scid;
	s5 =	rddreg [dreg:$0x1]  }
0x3: {  	s0 =	stileid.u32;
	s6 =	rddreg [dreg:$0x2]  }
0x4: {  	s2 =	simm.s32 $0x0;
	s11 =	simm.s32 $0x400;
	s12 =	simm.s32 $0x280  }
0x5: {  	s13 =	simm.s32 $0x6C00;
	s14 =	simm.s32 $0x300;
	s15 =	simm.s32 $0xD400  }
0x6: {  	s16 =	simm.s32 $0x380;
	s17 =	simm.s32 $0x13C00;
	s3 =	sand.u32 $0x1, s1  }
0x7: {  	s18 =	simm.s32 $0x1;
	s7 =	sshll.u32 s0, $0xA;
	s8 =	sshll.u32 s3, $0x9  }
0x8: {  	s1 =	rddreg [dreg:$0x3];
	s9 =	ssub.s32 $0x2, s3;
	s7 =	sor.u32 s8, s7  }
0x9: {  	[smem:$0x7FF] =	sst s2;
	s10 =	sshrl.u32 s9, $0x1;
	s8 =	smul.u32 $0x1A, s7  }
0xa: {  	_ =	strace $0x80000047;
	s3 =	sadd.s32 $0xA00, s4;
	s9 =	ssub.s32 s9, s10  }
0xb: {  	s7 =	sshrl.u32 s7, $0x3;
	s10 =	simm.s32 $0x80;
	s8 =	sadd.s32 s8, s4  }
0xc: {  	s4 =	sadd.s32 s5, s7;
	s5 =	sadd.s32 s6, s7;
	s7 =	smax.u32 s9, $0x1  }
0xd: {  	s9 =	simm.s32 $0x200;
	s6 =	sadd.s32 $0x3DA00, s8;
	s8 =	simm.s32 $0x2  }
.LBB2_1:
0xe: {  	[tilespmem:s2], [sflag:$0x2] =	stream.linear.gather [hbm4b:s4+s2], $0x200, $0x38;
	[tilespmem:$0x1A400] =	vst v63  }
0xf: {  	_ =	swait.ge [sflag:s8], $0x200  }
0x10: {  	[sflag:s8] =	ssyncset.done $0x0  }
0x11: {  	[sflag:s8] =	ssyncadd.s32 $0xFFFFFE00  }
0x12: {  	[tilespmem:s9], [sflag:$0x2] =	stream.linear.gather [hbm4b:s5+s2], $0x200, $0x38;
	[tilespmem:$0x1A400] =	vst v63  }
0x13: {  	_ =	swait.ge [sflag:s8], $0x200  }
0x14: {  	[sflag:s8] =	ssyncset.done $0x0  }
0x15: {  	[sflag:s8] =	ssyncadd.s32 $0xFFFFFE00  }
0x16: {  	v0 =	vld [tilespmem:$0x200]  }
0x17: {  	v1 =	vld [tilespmem:$0x0]  }
0x18: {  	v2 =	vld [tilespmem:$0x210]  }
0x19: {  	v3 =	vld [tilespmem:$0x10]  }
0x1a: {  	v4 =	vld [tilespmem:$0x220]  }
0x1b: {  	v5 =	vld [tilespmem:$0x20]  }
0x1c: {  	v6 =	vld [tilespmem:$0x230]  }
0x1d: {  	v7 =	vld [tilespmem:$0x30]  }
0x1e: {  	v8 =	vld [tilespmem:$0x240]  }
0x1f: {  	v9 =	vld [tilespmem:$0x40]  }
0x20: {  	v10 =	vld [tilespmem:$0x250]  }
0x21: {  	v11 =	vld [tilespmem:$0x50]  }
0x22: {  	v12 =	vld [tilespmem:$0x260]  }
0x23: {  	v13 =	vld [tilespmem:$0x60]  }
0x24: {  	v14 =	vld [tilespmem:$0x270]  }
0x25: {  	v15 =	vld [tilespmem:$0x70]  }
0x26: {  	v16 =	vld [tilespmem:$0x280]  }
0x27: {  	v17 =	vld [tilespmem:$0x80]  }
0x28: {  	v18 =	vld [tilespmem:$0x290]  }
0x29: {  	v19 =	vld [tilespmem:$0x90]  }
0x2a: {  	v20 =	vld [tilespmem:$0x2A0]  }
0x2b: {  	v21 =	vld [tilespmem:$0xA0]  }
0x2c: {  	v22 =	vld [tilespmem:$0x2B0]  }
0x2d: {  	v23 =	vld [tilespmem:$0xB0]  }
0x2e: {  	v24 =	vld [tilespmem:$0x2C0]  }
0x2f: {  	v25 =	vld [tilespmem:$0xC0]  }
0x30: {  	v26 =	vld [tilespmem:$0x2D0]  }
0x31: {  	v27 =	vld [tilespmem:$0xD0]  }
0x32: {  	v28 =	vld [tilespmem:$0x2E0]  }
0x33: {  	v29 =	vld [tilespmem:$0xE0]  }
0x34: {  	v30 =	vld [tilespmem:$0x2F0]  }
0x35: {  	v31 =	vld [tilespmem:$0xF0]  }
0x36: {  	v32 =	vld [tilespmem:$0x300]  }
0x37: {  	v33 =	vld [tilespmem:$0x100]  }
0x38: {  	v34 =	vld [tilespmem:$0x310]  }
0x39: {  	v35 =	vld [tilespmem:$0x110];
	v0 =	vmul.u32 $0xC4, v0  }
0x3a: {  	v36 =	vld [tilespmem:$0x320];
	v2 =	vmul.u32 $0xC4, v2  }
0x3b: {  	v38 =	vld [tilespmem:$0x150];
	v54 =	vmul.u32 $0xC4, v4;
	v0 =	vadd.s32 v1, v0  }
0x3c: {  	v41 =	vld [tilespmem:$0x360];
	v56 =	vmul.u32 $0xC4, v6;
	v55 =	vadd.s32 v3, v2;
	[tilespmem:$0x200] =	vst v0  }
0x3d: {  	v44 =	vld [tilespmem:$0x160];
	v58 =	vmul.u32 $0xC4, v8;
	v57 =	vadd.s32 v5, v54;
	[tilespmem:$0x210] =	vst v55  }
0x3e: {  	v47 =	vld [tilespmem:$0x370];
	v60 =	vmul.u32 $0xC4, v10;
	v59 =	vadd.s32 v7, v56;
	[tilespmem:$0x220] =	vst v57  }
0x3f: {  	v50 =	vld [tilespmem:$0x170];
	v62 =	vmul.u32 $0xC4, v12;
	v61 =	vadd.s32 v9, v58;
	[tilespmem:$0x230] =	vst v59  }
0x40: {  	v53 =	vld [tilespmem:$0x380];
	v12 =	vmul.u32 $0xC4, v14;
	v63 =	vadd.s32 v11, v60;
	[tilespmem:$0x240] =	vst v61  }
0x41: {  	v4 =	vld [tilespmem:$0x120];
	v37 =	vmul.u32 $0xC4, v16;
	v14 =	vadd.s32 v13, v62;
	[tilespmem:$0x250] =	vst v63  }
0x42: {  	v6 =	vld [tilespmem:$0x340];
	v40 =	vmul.u32 $0xC4, v18;
	v39 =	vadd.s32 v15, v12;
	[tilespmem:$0x260] =	vst v14  }
0x43: {  	v8 =	vld [tilespmem:$0x350];
	v43 =	vmul.u32 $0xC4, v20;
	v42 =	vadd.s32 v17, v37;
	[tilespmem:$0x270] =	vst v39  }
0x44: {  	v46 =	vmul.u32 $0xC4, v22;
	v22 =	vld [tilespmem:$0x3A0];
	v45 =	vadd.s32 v19, v40;
	[tilespmem:$0x280] =	vst v42  }
0x45: {  	v49 =	vmul.u32 $0xC4, v24;
	v3 =	vld [tilespmem:$0x330];
	v48 =	vadd.s32 v21, v43;
	[tilespmem:$0x290] =	vst v45  }
0x46: {  	v24 =	vmul.u32 $0xC4, v36;
	v36 =	vmul.u32 $0xC4, v41;
	v5 =	vld [tilespmem:$0x130];
	v51 =	vadd.s32 v23, v46;
	[tilespmem:$0x2A0] =	vst v48  }
0x47: {  	v52 =	vmul.u32 $0xC4, v26;
	v7 =	vld [tilespmem:$0x140];
	v54 =	vadd.s32 v25, v49;
	[tilespmem:$0x2B0] =	vst v51  }
0x48: {  	v56 =	vld [tilespmem:$0x180];
	v58 =	vmul.u32 $0xC4, v30;
	v41 =	vadd.s32 v44, v36;
	[tilespmem:$0x2C0] =	vst v54  }
0x49: {  	v62 =	vld [tilespmem:$0x190];
	v21 =	vmul.u32 $0xC4, v34;
	v57 =	vadd.s32 v27, v52;
	[tilespmem:$0x360] =	vst v41  }
0x4a: {  	v25 =	vld [tilespmem:$0x1A0];
	v55 =	vmul.u32 $0xC4, v28;
	[tilespmem:$0x2D0] =	vst v57;
	v63 =	vadd.s32 v31, v58  }
0x4b: {  	v34 =	vld [tilespmem:$0x3C0];
	v61 =	vmul.u32 $0xC4, v32;
	v26 =	vadd.s32 v35, v21;
	[tilespmem:$0x2F0] =	vst v63  }
0x4c: {  	v37 =	vld [tilespmem:$0x1C0];
	v60 =	vadd.s32 v29, v55;
	[tilespmem:$0x310] =	vst v26  }
0x4d: {  	v40 =	vld [tilespmem:$0x3D0];
	v39 =	vmul.u32 $0xC4, v47;
	v23 =	vadd.s32 v33, v61;
	[tilespmem:$0x2E0] =	vst v60  }
0x4e: {  	v43 =	vld [tilespmem:$0x1D0];
	v29 =	vadd.s32 v4, v24;
	v30 =	vmul.u32 $0xC4, v6;
	[tilespmem:$0x300] =	vst v23  }
0x4f: {  	v46 =	vld [tilespmem:$0x3E0];
	v33 =	vmul.u32 $0xC4, v8;
	v44 =	vadd.s32 v50, v39;
	[tilespmem:$0x320] =	vst v29  }
0x50: {  	v59 =	vld [tilespmem:$0x390];
	v42 =	vmul.u32 $0xC4, v53;
	[tilespmem:$0x370] =	vst v44;
	v35 =	vadd.s32 v7, v30  }
0x51: {  	v28 =	vld [tilespmem:$0x3B0];
	v48 =	vmul.u32 $0xC4, v22;
	v38 =	vadd.s32 v38, v33;
	[tilespmem:$0x340] =	vst v35  }
0x52: {  	v49 =	vld [tilespmem:$0x3F0];
	v27 =	vmul.u32 $0xC4, v3;
	v47 =	vadd.s32 v56, v42;
	[tilespmem:$0x350] =	vst v38  }
0x53: {  	v31 =	vld [tilespmem:$0x1B0];
	v53 =	vadd.s32 v25, v48;
	v54 =	vmul.u32 $0xC4, v34;
	[tilespmem:$0x380] =	vst v47  }
0x54: {  	v52 =	vld [tilespmem:$0x1E0];
	v57 =	vmul.u32 $0xC4, v40;
	[tilespmem:$0x3A0] =	vst v53;
	v32 =	vadd.s32 v5, v27  }
0x55: {  	v55 =	vld [tilespmem:$0x1F0];
	v45 =	vmul.u32 $0xC4, v59;
	v58 =	vadd.s32 v37, v54;
	[tilespmem:$0x330] =	vst v32  }
0x56: {  	v51 =	vmul.u32 $0xC4, v28;
	v60 =	vadd.s32 v43, v57;
	[tilespmem:$0x3C0] =	vst v58  }
0x57: {  	v59 =	vmul.u32 $0xC4, v46;
	v50 =	vadd.s32 v62, v45;
	[tilespmem:$0x3D0] =	vst v60  }
0x58: {  	v61 =	vmul.u32 $0xC4, v49;
	v56 =	vadd.s32 v31, v51;
	[tilespmem:$0x390] =	vst v50  }
0x59: {  	v62 =	vadd.s32 v52, v59;
	[tilespmem:$0x3B0] =	vst v56  }
0x5a: {  	v63 =	vadd.s32 v55, v61;
	[tilespmem:$0x3E0] =	vst v62  }
0x5b: {  	[tilespmem:$0x3F0] =	vst v63  }
0x5c: {  	[tilespmem:s11], [sflag:$0x1] =	stream.indirect.gather [hbm4b:s3+s10], $0xD0, s9, s10, $0xb8;
	[tilespmem:$0x1A400] =	vst v63  }
0x5d: {  	_ = 	snop  }
0x5e: {  	[tilespmem:s13], [sflag:$0x1] =	stream.indirect.gather [hbm4b:s3+s10], $0xD0, s12, s10, $0xb8;
	[tilespmem:$0x1A400] =	vst v63  }
0x5f: {  	_ = 	snop  }
0x60: {  	[tilespmem:s15], [sflag:$0x1] =	stream.indirect.gather [hbm4b:s3+s10], $0xD0, s14, s10, $0xb8;
	[tilespmem:$0x1A400] =	vst v63  }
0x61: {  	_ = 	snop  }
0x62: {  	[tilespmem:s17], [sflag:$0x1] =	stream.indirect.gather [hbm4b:s3+s10], $0xD0, s16, s10, $0xb8;
	[tilespmem:$0x1A400] =	vst v63  }
0x63: {  	_ =	swait.ge [sflag:s18], $0x6800  }
0x64: {  	[sflag:s18] =	ssyncset.done $0x0  }
0x65: {  	[sflag:s18] =	ssyncadd.s32 $0xFFFF9800  }
0x66: {  	_ =	swait.ge [sflag:s18], $0x6800  }
0x67: {  	[sflag:s18] =	ssyncset.done $0x0  }
0x68: {  	[sflag:s18] =	ssyncadd.s32 $0xFFFF9800  }
0x69: {  	_ =	swait.ge [sflag:s18], $0x6800  }
0x6a: {  	[sflag:s18] =	ssyncset.done $0x0  }
0x6b: {  	[sflag:s18] =	ssyncadd.s32 $0xFFFF9800  }
0x6c: {  	_ =	swait.ge [sflag:s18], $0x6800  }
0x6d: {  	p0 =	sne.s32 s7, $0x1;
	[sflag:s18] =	ssyncset.done $0x0  }
.Ltmp0:
0x6e: {  	[sflag:s18] =	ssyncadd.s32 $0xFFFF9800;
	(pc) =	sbr.rel @p0 .LBB2_1-.Ltmp0, $4  }
0x6f: {  	[hbm4b:s6+s2] =	stream.linear.scatter [tilespmem:s11], [sflag:$0x2], $0x1A000, $0x38;
	[tilespmem:$0x1A400] =	vst v63  }
0x70: {  	_ =	swait.ge [sflag:s8], $0x1A000  }
0x71: {  	[sflag:s8] =	ssyncset.done $0x0  }
0x72: {  	s7 =	sadd.s32 $0xFFFFFFFF, s7;
	[sflag:s8] =	ssyncadd.s32 $0xFFFE6000  }
0x73: {  	_ =	sfence.sel $0x180000  }
0x74: {  	[bflag:$0x0] =	sbarrier.arrive $0xFFFF  }
0x75: {  	p0 =	sne.s32 s0, $0x0;
	_ =	strace $0x90000047  }
0x76: {  	s0 =	sadd.s32 @!p0 $0x100000, s1;
	[bflag:$0x2] =	sbarrier.arrive $0xFFFF  }
0x77: {  	[sflag:s0] =	ssyncadd.tile.s32 @!p0 $0x1;
	_ =	shalt  }
.Lfunc_end2:
_tile_overlayer_lowered:
.L_overlay_start_2:
0x78: {  	(tag) =	ssettag $0x2  }
0x79: {  	s0 =	rddreg [dreg:$0x0];
	s2 =	stileid.u32  }
0x7a: {  	s1 =	rddreg [dreg:$0x1];
	p0 =	sne.s32 s2, $0x0  }
0x7b: {  	s3 =	rddreg [dreg:$0x2];
	[bflag:$0x3] =	sbarrier.arrive $0xFFFF;
	s2 =	simm.s32 @!p0 $0x1C02  }
0x7c: {  	[timem:s3], [sflag:s2] =	dma.local @!p0 [hbm:s0], s1  }
0x7d: {  	s0 =	simm.s32 @!p0 $0x2  }
0x7e: {  	_ =	swait.ge @!p0 [sflag:s0], s1  }
0x7f: {  	s1 =	ssub.s32 @!p0 $0x0, s1;
	[sflag:s0] =	ssyncset.done @!p0 $0x0  }
0x80: {  	[sflag:s0] =	ssyncadd.s32 @!p0 s1  }
0x81: {  	[bflag:$0x3] =	sbarrier.arrive $0xFFFF  }
0x82: {  	_ =	shalt  }

</sc_bundles>
